<compile_context>
chip_gen: v7x
topology: tpu7x:2x2x1
jax: 0.10.2.dev20260603
libtpu: 0.0.44.dev20260713+nightly
codegen_flags: <defaults>
</compile_context>

<pallas_src>
import functools

import jax
import jax.numpy as jnp
from jax import lax
from jax.experimental import pallas as pl
from jax.experimental.pallas import tpu as pltpu
from jax.experimental.pallas import tpu_sc as plsc

N = 100000
EMBED_DIM = 16
MACE_DIM = 4
OUT_DIM = EMBED_DIM + MACE_DIM
PAD_DIM = 24
VOCAB = 100

NC, NS = 2, 16
NW = NC * NS
BIG = 3128
SMALL = 3120
NBIG = 20
GATHER_BURST = 128


def _process(table_sh, zref, ntref, saref, out, idx_v, nt_v, sa_v, rows_v,
             sem, base, rows):
    pltpu.sync_copy(zref.at[pl.ds(base, rows)], idx_v.at[pl.ds(0, rows)])
    copies = []
    for j in range(0, rows, GATHER_BURST):
        g = min(GATHER_BURST, rows - j)
        copies.append(pltpu.async_copy(
            table_sh.at[idx_v.at[pl.ds(j, g)]], rows_v.at[pl.ds(j, g)], sem))
    pltpu.sync_copy(ntref.at[pl.ds(base, rows)], nt_v.at[pl.ds(0, rows)])
    pltpu.sync_copy(saref.at[pl.ds(base * MACE_DIM, rows * MACE_DIM)],
                    sa_v.at[pl.ds(0, rows * MACE_DIM)])
    for c in copies:
        c.wait()

    lane = lax.iota(jnp.int32, 16)
    rowpat = lane >> 2
    colpat = (lane & 3) + EMBED_DIM

    def body(i, carry):
        r = rowpat + i * 4
        nt = plsc.load_gather(nt_v, [r])
        sa = sa_v[pl.ds(i * 16, 16)]
        plsc.store_scatter(rows_v, [r, colpat], sa, mask=(nt == 1))
        return carry

    lax.fori_loop(0, rows // 4, body, 0)
    pltpu.sync_copy(rows_v.at[pl.ds(0, rows)], out.at[pl.ds(base, rows)])


@functools.partial(
    pl.kernel,
    out_type=jax.ShapeDtypeStruct((N, PAD_DIM), jnp.float32),
    mesh=plsc.VectorSubcoreMesh(core_axis_name="c", subcore_axis_name="s"),
    scratch_types=[
        pltpu.VMEM((BIG,), jnp.int32),
        pltpu.VMEM((BIG,), jnp.int32),
        pltpu.VMEM((BIG * MACE_DIM,), jnp.float32),
        pltpu.VMEM((BIG, PAD_DIM), jnp.float32),
        pltpu.VMEM_SHARED((VOCAB, PAD_DIM), jnp.float32),
        pltpu.SemaphoreType.DMA,
    ],
    compiler_params=pltpu.CompilerParams(
        needs_layout_passes=False, use_tc_tiling_on_sc=False),
)
def _feature_builder(table, zref, ntref, saref, out,
                     idx_v, nt_v, sa_v, rows_v, table_sh, sem):
    sid = lax.axis_index("s")
    w = sid * NC + lax.axis_index("c")

    @pl.when(sid == 0)
    def _():
        pltpu.sync_copy(table, table_sh)

    plsc.subcore_barrier()

    @pl.when(w < NBIG)
    def _():
        _process(table_sh, zref, ntref, saref, out,
                 idx_v, nt_v, sa_v, rows_v, sem, w * BIG, BIG)

    @pl.when(w >= NBIG)
    def _():
        _process(table_sh, zref, ntref, saref, out,
                 idx_v, nt_v, sa_v, rows_v, sem,
                 NBIG * BIG + (w - NBIG) * SMALL, SMALL)


def kernel(z, node_type, site_ads, z_embed):
    table = jnp.concatenate(
        [z_embed, jnp.zeros((VOCAB, PAD_DIM - EMBED_DIM), jnp.float32)],
        axis=1)
    out24 = _feature_builder(table, z.astype(jnp.int32),
                             node_type.astype(jnp.int32),
                             site_ads.reshape(-1))
    return out24[:, :OUT_DIM]

# --- scband reference (transcript-rebuilt; emitter-appended) ---
"""Pipeline reference for scband-feature-builder-67817533604358 (READ-ONLY COPY).

The authoritative reference and input builder live on the scoring server;
editing this copy changes nothing except your own understanding.
"""

import jax, jax.numpy as jnp
import numpy as np

N = 100000
EMBED_DIM = 16
MACE_DIM = 4
VOCAB = 100

def setup_inputs(seed: int = 0) -> dict:
    key = jax.random.key(seed)
    k1, k2, k3, k4 = jax.random.split(key, 4)
    z = jax.random.randint(k1, (N,), 0, VOCAB, dtype=jnp.int64)
    node_type = jax.random.randint(k2, (N,), 0, 3, dtype=jnp.int64)
    site_ads = jax.random.normal(k3, (N, MACE_DIM), dtype=jnp.float32)
    z_embed = jax.random.normal(k4, (VOCAB, EMBED_DIM), dtype=jnp.float32)
    return {"z": z, "node_type": node_type, "site_ads": site_ads, "z_embed": z_embed}

def reference(z, node_type, site_ads, z_embed):
    # z_feat = self.z_embed(z)
    z_feat = jnp.take(z_embed, z, axis=0)
    # mask = (node_type == 1).float().unsqueeze(-1)
    mask = (node_type == 1).astype(jnp.float32)[:, None]
    site_ads_masked = site_ads * mask
    return jnp.concatenate([z_feat, site_ads_masked], axis=-1)

if __name__ == "__main__":
    import jax
    _d = setup_inputs()
    print(jax.jit(kernel)(*tuple(_d.values())))

</pallas_src>

<mosaic_0001>
#map = affine_map<(d0, d1) -> (0, 0)>
#map1 = affine_map<(d0, d1) -> (0)>
module attributes {stable_mosaic.version = 14 : i64} {
  func.func @_feature_builder(%arg0: i32, %arg1: i32, %arg2: memref<100x24xf32, #tpu.memory_space<hbm>>, %arg3: memref<100000xi32, #tpu.memory_space<hbm>>, %arg4: memref<100000xi32, #tpu.memory_space<hbm>>, %arg5: memref<400000xf32, #tpu.memory_space<hbm>>, %arg6: memref<100000x24xf32, #tpu.memory_space<hbm>>, %arg7: memref<3128xi32, #tpu.memory_space<vmem>>, %arg8: memref<3128xi32, #tpu.memory_space<vmem>>, %arg9: memref<12512xf32, #tpu.memory_space<vmem>>, %arg10: memref<3128x24xf32, #tpu.memory_space<vmem>>, %arg11: memref<100x24xf32, #tpu.memory_space<vmem_shared>>, %arg12: memref<!tpu.dma_semaphore, #tpu.memory_space<semaphore_mem>>) attributes {dimension_semantics = [#tpu.dimension_semantics<core_parallel>, #tpu.dimension_semantics<subcore_parallel>], iteration_bounds = array<i64: 2, 16>, scalar_prefetch = 0 : i64, scratch_operands = 6 : i64, tpu.core_type = #tpu.core_type<sc_vector_subcore>, window_params = [{transform_indices = #map}, {transform_indices = #map1}, {transform_indices = #map1}, {transform_indices = #map1}, {transform_indices = #map}]} {
    %mul3A = arith.constant 2 : i32
    %mul3A_0 = arith.muli %arg1, %mul3A : i32
    %add3A = arith.addi %mul3A_0, %arg0 : i32
    %eq3A = arith.constant 0 : i32
    %eq3A_1 = arith.cmpi eq, %arg1, %eq3A : i32
    %convert_element_type3A = arith.extui %eq3A_1 : i1 to i32
    %cond3A = arith.constant 0 : i32
    %cond3A_2 = arith.cmpi ne, %convert_element_type3A, %cond3A : i32
    scf.if %cond3A_2 {
      "tpu.region"() ({
        %run_scoped3A = tpu.sem_alloc : memref<!tpu.dma_semaphore, #tpu.memory_space<semaphore_mem>>
        tpu.enqueue_dma source(%arg2 : memref<100x24xf32, #tpu.memory_space<hbm>>) target(%arg11 : memref<100x24xf32, #tpu.memory_space<vmem_shared>>) target_semaphore(%run_scoped3A : memref<!tpu.dma_semaphore, #tpu.memory_space<semaphore_mem>>)
        tpu.wait_dma2 semaphore(%run_scoped3A : memref<!tpu.dma_semaphore, #tpu.memory_space<semaphore_mem>>) src(%arg2 : memref<100x24xf32, #tpu.memory_space<hbm>>) dst(%arg11 : memref<100x24xf32, #tpu.memory_space<vmem_shared>>)
        tpu.yield
      }) : () -> ()
    } else {
    }
    %barrier3A = arith.constant 0 : index
    tpu.barrier barrier_id(%barrier3A)
    %lt3A = arith.constant 20 : i32
    %lt3A_3 = arith.cmpi slt, %add3A, %lt3A : i32
    %convert_element_type3A_4 = arith.extui %lt3A_3 : i1 to i32
    %cond3A_5 = arith.constant 0 : i32
    %cond3A_6 = arith.cmpi ne, %convert_element_type3A_4, %cond3A_5 : i32
    scf.if %cond3A_6 {
      %mul3A_11 = arith.constant 3128 : i32
      %mul3A_12 = arith.muli %add3A, %mul3A_11 : i32
      "tpu.region"() ({
        %run_scoped3A = tpu.sem_alloc : memref<!tpu.dma_semaphore, #tpu.memory_space<semaphore_mem>>
        %dma_start3A_425 = arith.constant 0 : i32
        %dma_start3A_426 = tpu.memref_slice %arg7[%dma_start3A_425] : memref<3128xi32, #tpu.memory_space<vmem>> -> memref<3128xi32, #tpu.memory_space<vmem>>
        %dma_start3A_427 = tpu.memref_slice %arg3[%mul3A_12] : memref<100000xi32, #tpu.memory_space<hbm>> -> memref<3128xi32, #tpu.memory_space<hbm>>
        %dma_start3A_428 = arith.constant 0 : i32
        %dma_start3A_429 = tpu.memref_slice %arg7[%dma_start3A_428] : memref<3128xi32, #tpu.memory_space<vmem>> -> memref<3128xi32, #tpu.memory_space<vmem>>
        %dma_start3A_430 = tpu.memref_slice %arg3[%mul3A_12] : memref<100000xi32, #tpu.memory_space<hbm>> -> memref<3128xi32, #tpu.memory_space<hbm>>
        tpu.enqueue_dma source(%dma_start3A_430 : memref<3128xi32, #tpu.memory_space<hbm>>) target(%dma_start3A_429 : memref<3128xi32, #tpu.memory_space<vmem>>) target_semaphore(%run_scoped3A : memref<!tpu.dma_semaphore, #tpu.memory_space<semaphore_mem>>)
        %dma_wait3A_431 = arith.constant 0 : i32
        %dma_wait3A_432 = tpu.memref_slice %arg7[%dma_wait3A_431] : memref<3128xi32, #tpu.memory_space<vmem>> -> memref<3128xi32, #tpu.memory_space<vmem>>
        %dma_wait3A_433 = tpu.memref_slice %arg3[%mul3A_12] : memref<100000xi32, #tpu.memory_space<hbm>> -> memref<3128xi32, #tpu.memory_space<hbm>>
        %dma_wait3A_434 = arith.constant 0 : i32
        %dma_wait3A_435 = tpu.memref_slice %arg7[%dma_wait3A_434] : memref<3128xi32, #tpu.memory_space<vmem>> -> memref<3128xi32, #tpu.memory_space<vmem>>
        %dma_wait3A_436 = tpu.memref_slice %arg3[%mul3A_12] : memref<100000xi32, #tpu.memory_space<hbm>> -> memref<3128xi32, #tpu.memory_space<hbm>>
        tpu.wait_dma2 semaphore(%run_scoped3A : memref<!tpu.dma_semaphore, #tpu.memory_space<semaphore_mem>>) src(%dma_wait3A_436 : memref<3128xi32, #tpu.memory_space<hbm>>) dst(%dma_wait3A_435 : memref<3128xi32, #tpu.memory_space<vmem>>)
        tpu.yield
      }) : () -> ()
      %dma_start3A = arith.constant 0 : i32
      %dma_start3A_13 = arith.constant 0 : i32
      %dma_start3A_14 = tpu.memref_slice %arg10[%dma_start3A, %dma_start3A_13] : memref<3128x24xf32, #tpu.memory_space<vmem>> -> memref<128x24xf32, #tpu.memory_space<vmem>>
      %dma_start3A_15 = arith.constant 0 : i32
      %dma_start3A_16 = tpu.memref_slice %arg7[%dma_start3A_15] : memref<3128xi32, #tpu.memory_space<vmem>> -> memref<128xi32, #tpu.memory_space<vmem>>
      %dma_start3A_17 = arith.constant 0 : i32
      %dma_start3A_18 = arith.constant 0 : i32
      %dma_start3A_19 = tpu.memref_slice %arg11[%dma_start3A_17, %dma_start3A_18] : memref<100x24xf32, #tpu.memory_space<vmem_shared>> -> memref<100x24xf32, #tpu.memory_space<vmem_shared>>
      tpu.enqueue_indirect_dma source(%dma_start3A_19 : memref<100x24xf32, #tpu.memory_space<vmem_shared>>) target(%dma_start3A_14 : memref<128x24xf32, #tpu.memory_space<vmem>>) offsets(%dma_start3A_16 : memref<128xi32, #tpu.memory_space<vmem>>) semaphore(%arg12 : memref<!tpu.dma_semaphore, #tpu.memory_space<semaphore_mem>>)
      %dma_start3A_20 = arith.constant 128 : i32
      %dma_start3A_21 = arith.constant 0 : i32
      %dma_start3A_22 = tpu.memref_slice %arg10[%dma_start3A_20, %dma_start3A_21] : memref<3128x24xf32, #tpu.memory_space<vmem>> -> memref<128x24xf32, #tpu.memory_space<vmem>>
      %dma_start3A_23 = arith.constant 128 : i32
      %dma_start3A_24 = tpu.memref_slice %arg7[%dma_start3A_23] : memref<3128xi32, #tpu.memory_space<vmem>> -> memref<128xi32, #tpu.memory_space<vmem>>
      %dma_start3A_25 = arith.constant 0 : i32
      %dma_start3A_26 = arith.constant 0 : i32
      %dma_start3A_27 = tpu.memref_slice %arg11[%dma_start3A_25, %dma_start3A_26] : memref<100x24xf32, #tpu.memory_space<vmem_shared>> -> memref<100x24xf32, #tpu.memory_space<vmem_shared>>
      tpu.enqueue_indirect_dma source(%dma_start3A_27 : memref<100x24xf32, #tpu.memory_space<vmem_shared>>) target(%dma_start3A_22 : memref<128x24xf32, #tpu.memory_space<vmem>>) offsets(%dma_start3A_24 : memref<128xi32, #tpu.memory_space<vmem>>) semaphore(%arg12 : memref<!tpu.dma_semaphore, #tpu.memory_space<semaphore_mem>>)
      %dma_start3A_28 = arith.constant 256 : i32
      %dma_start3A_29 = arith.constant 0 : i32
      %dma_start3A_30 = tpu.memref_slice %arg10[%dma_start3A_28, %dma_start3A_29] : memref<3128x24xf32, #tpu.memory_space<vmem>> -> memref<128x24xf32, #tpu.memory_space<vmem>>
      %dma_start3A_31 = arith.constant 256 : i32
      %dma_start3A_32 = tpu.memref_slice %arg7[%dma_start3A_31] : memref<3128xi32, #tpu.memory_space<vmem>> -> memref<128xi32, #tpu.memory_space<vmem>>
      %dma_start3A_33 = arith.constant 0 : i32
      %dma_start3A_34 = arith.constant 0 : i32
      %dma_start3A_35 = tpu.memref_slice %arg11[%dma_start3A_33, %dma_start3A_34] : memref<100x24xf32, #tpu.memory_space<vmem_shared>> -> memref<100x24xf32, #tpu.memory_space<vmem_shared>>
      tpu.enqueue_indirect_dma source(%dma_start3A_35 : memref<100x24xf32, #tpu.memory_space<vmem_shared>>) target(%dma_start3A_30 : memref<128x24xf32, #tpu.memory_space<vmem>>) offsets(%dma_start3A_32 : memref<128xi32, #tpu.memory_space<vmem>>) semaphore(%arg12 : memref<!tpu.dma_semaphore, #tpu.memory_space<semaphore_mem>>)
      %dma_start3A_36 = arith.constant 384 : i32
      %dma_start3A_37 = arith.constant 0 : i32
      %dma_start3A_38 = tpu.memref_slice %arg10[%dma_start3A_36, %dma_start3A_37] : memref<3128x24xf32, #tpu.memory_space<vmem>> -> memref<128x24xf32, #tpu.memory_space<vmem>>
      %dma_start3A_39 = arith.constant 384 : i32
      %dma_start3A_40 = tpu.memref_slice %arg7[%dma_start3A_39] : memref<3128xi32, #tpu.memory_space<vmem>> -> memref<128xi32, #tpu.memory_space<vmem>>
      %dma_start3A_41 = arith.constant 0 : i32
      %dma_start3A_42 = arith.constant 0 : i32
      %dma_start3A_43 = tpu.memref_slice %arg11[%dma_start3A_41, %dma_start3A_42] : memref<100x24xf32, #tpu.memory_space<vmem_shared>> -> memref<100x24xf32, #tpu.memory_space<vmem_shared>>
      tpu.enqueue_indirect_dma source(%dma_start3A_43 : memref<100x24xf32, #tpu.memory_space<vmem_shared>>) target(%dma_start3A_38 : memref<128x24xf32, #tpu.memory_space<vmem>>) offsets(%dma_start3A_40 : memref<128xi32, #tpu.memory_space<vmem>>) semaphore(%arg12 : memref<!tpu.dma_semaphore, #tpu.memory_space<semaphore_mem>>)
      %dma_start3A_44 = arith.constant 512 : i32
      %dma_start3A_45 = arith.constant 0 : i32
      %dma_start3A_46 = tpu.memref_slice %arg10[%dma_start3A_44, %dma_start3A_45] : memref<3128x24xf32, #tpu.memory_space<vmem>> -> memref<128x24xf32, #tpu.memory_space<vmem>>
      %dma_start3A_47 = arith.constant 512 : i32
      %dma_start3A_48 = tpu.memref_slice %arg7[%dma_start3A_47] : memref<3128xi32, #tpu.memory_space<vmem>> -> memref<128xi32, #tpu.memory_space<vmem>>
      %dma_start3A_49 = arith.constant 0 : i32
      %dma_start3A_50 = arith.constant 0 : i32
      %dma_start3A_51 = tpu.memref_slice %arg11[%dma_start3A_49, %dma_start3A_50] : memref<100x24xf32, #tpu.memory_space<vmem_shared>> -> memref<100x24xf32, #tpu.memory_space<vmem_shared>>
      tpu.enqueue_indirect_dma source(%dma_start3A_51 : memref<100x24xf32, #tpu.memory_space<vmem_shared>>) target(%dma_start3A_46 : memref<128x24xf32, #tpu.memory_space<vmem>>) offsets(%dma_start3A_48 : memref<128xi32, #tpu.memory_space<vmem>>) semaphore(%arg12 : memref<!tpu.dma_semaphore, #tpu.memory_space<semaphore_mem>>)
      %dma_start3A_52 = arith.constant 640 : i32
      %dma_start3A_53 = arith.constant 0 : i32
      %dma_start3A_54 = tpu.memref_slice %arg10[%dma_start3A_52, %dma_start3A_53] : memref<3128x24xf32, #tpu.memory_space<vmem>> -> memref<128x24xf32, #tpu.memory_space<vmem>>
      %dma_start3A_55 = arith.constant 640 : i32
      %dma_start3A_56 = tpu.memref_slice %arg7[%dma_start3A_55] : memref<3128xi32, #tpu.memory_space<vmem>> -> memref<128xi32, #tpu.memory_space<vmem>>
      %dma_start3A_57 = arith.constant 0 : i32
      %dma_start3A_58 = arith.constant 0 : i32
      %dma_start3A_59 = tpu.memref_slice %arg11[%dma_start3A_57, %dma_start3A_58] : memref<100x24xf32, #tpu.memory_space<vmem_shared>> -> memref<100x24xf32, #tpu.memory_space<vmem_shared>>
      tpu.enqueue_indirect_dma source(%dma_start3A_59 : memref<100x24xf32, #tpu.memory_space<vmem_shared>>) target(%dma_start3A_54 : memref<128x24xf32, #tpu.memory_space<vmem>>) offsets(%dma_start3A_56 : memref<128xi32, #tpu.memory_space<vmem>>) semaphore(%arg12 : memref<!tpu.dma_semaphore, #tpu.memory_space<semaphore_mem>>)
      %dma_start3A_60 = arith.constant 768 : i32
      %dma_start3A_61 = arith.constant 0 : i32
      %dma_start3A_62 = tpu.memref_slice %arg10[%dma_start3A_60, %dma_start3A_61] : memref<3128x24xf32, #tpu.memory_space<vmem>> -> memref<128x24xf32, #tpu.memory_space<vmem>>
      %dma_start3A_63 = arith.constant 768 : i32
      %dma_start3A_64 = tpu.memref_slice %arg7[%dma_start3A_63] : memref<3128xi32, #tpu.memory_space<vmem>> -> memref<128xi32, #tpu.memory_space<vmem>>
      %dma_start3A_65 = arith.constant 0 : i32
      %dma_start3A_66 = arith.constant 0 : i32
      %dma_start3A_67 = tpu.memref_slice %arg11[%dma_start3A_65, %dma_start3A_66] : memref<100x24xf32, #tpu.memory_space<vmem_shared>> -> memref<100x24xf32, #tpu.memory_space<vmem_shared>>
      tpu.enqueue_indirect_dma source(%dma_start3A_67 : memref<100x24xf32, #tpu.memory_space<vmem_shared>>) target(%dma_start3A_62 : memref<128x24xf32, #tpu.memory_space<vmem>>) offsets(%dma_start3A_64 : memref<128xi32, #tpu.memory_space<vmem>>) semaphore(%arg12 : memref<!tpu.dma_semaphore, #tpu.memory_space<semaphore_mem>>)
      %dma_start3A_68 = arith.constant 896 : i32
      %dma_start3A_69 = arith.constant 0 : i32
      %dma_start3A_70 = tpu.memref_slice %arg10[%dma_start3A_68, %dma_start3A_69] : memref<3128x24xf32, #tpu.memory_space<vmem>> -> memref<128x24xf32, #tpu.memory_space<vmem>>
      %dma_start3A_71 = arith.constant 896 : i32
      %dma_start3A_72 = tpu.memref_slice %arg7[%dma_start3A_71] : memref<3128xi32, #tpu.memory_space<vmem>> -> memref<128xi32, #tpu.memory_space<vmem>>
      %dma_start3A_73 = arith.constant 0 : i32
      %dma_start3A_74 = arith.constant 0 : i32
      %dma_start3A_75 = tpu.memref_slice %arg11[%dma_start3A_73, %dma_start3A_74] : memref<100x24xf32, #tpu.memory_space<vmem_shared>> -> memref<100x24xf32, #tpu.memory_space<vmem_shared>>
      tpu.enqueue_indirect_dma source(%dma_start3A_75 : memref<100x24xf32, #tpu.memory_space<vmem_shared>>) target(%dma_start3A_70 : memref<128x24xf32, #tpu.memory_space<vmem>>) offsets(%dma_start3A_72 : memref<128xi32, #tpu.memory_space<vmem>>) semaphore(%arg12 : memref<!tpu.dma_semaphore, #tpu.memory_space<semaphore_mem>>)
      %dma_start3A_76 = arith.constant 1024 : i32
      %dma_start3A_77 = arith.constant 0 : i32
      %dma_start3A_78 = tpu.memref_slice %arg10[%dma_start3A_76, %dma_start3A_77] : memref<3128x24xf32, #tpu.memory_space<vmem>> -> memref<128x24xf32, #tpu.memory_space<vmem>>
      %dma_start3A_79 = arith.constant 1024 : i32
      %dma_start3A_80 = tpu.memref_slice %arg7[%dma_start3A_79] : memref<3128xi32, #tpu.memory_space<vmem>> -> memref<128xi32, #tpu.memory_space<vmem>>
      %dma_start3A_81 = arith.constant 0 : i32
      %dma_start3A_82 = arith.constant 0 : i32
      %dma_start3A_83 = tpu.memref_slice %arg11[%dma_start3A_81, %dma_start3A_82] : memref<100x24xf32, #tpu.memory_space<vmem_shared>> -> memref<100x24xf32, #tpu.memory_space<vmem_shared>>
      tpu.enqueue_indirect_dma source(%dma_start3A_83 : memref<100x24xf32, #tpu.memory_space<vmem_shared>>) target(%dma_start3A_78 : memref<128x24xf32, #tpu.memory_space<vmem>>) offsets(%dma_start3A_80 : memref<128xi32, #tpu.memory_space<vmem>>) semaphore(%arg12 : memref<!tpu.dma_semaphore, #tpu.memory_space<semaphore_mem>>)
      %dma_start3A_84 = arith.constant 1152 : i32
      %dma_start3A_85 = arith.constant 0 : i32
      %dma_start3A_86 = tpu.memref_slice %arg10[%dma_start3A_84, %dma_start3A_85] : memref<3128x24xf32, #tpu.memory_space<vmem>> -> memref<128x24xf32, #tpu.memory_space<vmem>>
      %dma_start3A_87 = arith.constant 1152 : i32
      %dma_start3A_88 = tpu.memref_slice %arg7[%dma_start3A_87] : memref<3128xi32, #tpu.memory_space<vmem>> -> memref<128xi32, #tpu.memory_space<vmem>>
      %dma_start3A_89 = arith.constant 0 : i32
      %dma_start3A_90 = arith.constant 0 : i32
      %dma_start3A_91 = tpu.memref_slice %arg11[%dma_start3A_89, %dma_start3A_90] : memref<100x24xf32, #tpu.memory_space<vmem_shared>> -> memref<100x24xf32, #tpu.memory_space<vmem_shared>>
      tpu.enqueue_indirect_dma source(%dma_start3A_91 : memref<100x24xf32, #tpu.memory_space<vmem_shared>>) target(%dma_start3A_86 : memref<128x24xf32, #tpu.memory_space<vmem>>) offsets(%dma_start3A_88 : memref<128xi32, #tpu.memory_space<vmem>>) semaphore(%arg12 : memref<!tpu.dma_semaphore, #tpu.memory_space<semaphore_mem>>)
      %dma_start3A_92 = arith.constant 1280 : i32
      %dma_start3A_93 = arith.constant 0 : i32
      %dma_start3A_94 = tpu.memref_slice %arg10[%dma_start3A_92, %dma_start3A_93] : memref<3128x24xf32, #tpu.memory_space<vmem>> -> memref<128x24xf32, #tpu.memory_space<vmem>>
      %dma_start3A_95 = arith.constant 1280 : i32
      %dma_start3A_96 = tpu.memref_slice %arg7[%dma_start3A_95] : memref<3128xi32, #tpu.memory_space<vmem>> -> memref<128xi32, #tpu.memory_space<vmem>>
      %dma_start3A_97 = arith.constant 0 : i32
      %dma_start3A_98 = arith.constant 0 : i32
      %dma_start3A_99 = tpu.memref_slice %arg11[%dma_start3A_97, %dma_start3A_98] : memref<100x24xf32, #tpu.memory_space<vmem_shared>> -> memref<100x24xf32, #tpu.memory_space<vmem_shared>>
      tpu.enqueue_indirect_dma source(%dma_start3A_99 : memref<100x24xf32, #tpu.memory_space<vmem_shared>>) target(%dma_start3A_94 : memref<128x24xf32, #tpu.memory_space<vmem>>) offsets(%dma_start3A_96 : memref<128xi32, #tpu.memory_space<vmem>>) semaphore(%arg12 : memref<!tpu.dma_semaphore, #tpu.memory_space<semaphore_mem>>)
      %dma_start3A_100 = arith.constant 1408 : i32
      %dma_start3A_101 = arith.constant 0 : i32
      %dma_start3A_102 = tpu.memref_slice %arg10[%dma_start3A_100, %dma_start3A_101] : memref<3128x24xf32, #tpu.memory_space<vmem>> -> memref<128x24xf32, #tpu.memory_space<vmem>>
      %dma_start3A_103 = arith.constant 1408 : i32
      %dma_start3A_104 = tpu.memref_slice %arg7[%dma_start3A_103] : memref<3128xi32, #tpu.memory_space<vmem>> -> memref<128xi32, #tpu.memory_space<vmem>>
      %dma_start3A_105 = arith.constant 0 : i32
      %dma_start3A_106 = arith.constant 0 : i32
      %dma_start3A_107 = tpu.memref_slice %arg11[%dma_start3A_105, %dma_start3A_106] : memref<100x24xf32, #tpu.memory_space<vmem_shared>> -> memref<100x24xf32, #tpu.memory_space<vmem_shared>>
      tpu.enqueue_indirect_dma source(%dma_start3A_107 : memref<100x24xf32, #tpu.memory_space<vmem_shared>>) target(%dma_start3A_102 : memref<128x24xf32, #tpu.memory_space<vmem>>) offsets(%dma_start3A_104 : memref<128xi32, #tpu.memory_space<vmem>>) semaphore(%arg12 : memref<!tpu.dma_semaphore, #tpu.memory_space<semaphore_mem>>)
      %dma_start3A_108 = arith.constant 1536 : i32
      %dma_start3A_109 = arith.constant 0 : i32
      %dma_start3A_110 = tpu.memref_slice %arg10[%dma_start3A_108, %dma_start3A_109] : memref<3128x24xf32, #tpu.memory_space<vmem>> -> memref<128x24xf32, #tpu.memory_space<vmem>>
      %dma_start3A_111 = arith.constant 1536 : i32
      %dma_start3A_112 = tpu.memref_slice %arg7[%dma_start3A_111] : memref<3128xi32, #tpu.memory_space<vmem>> -> memref<128xi32, #tpu.memory_space<vmem>>
      %dma_start3A_113 = arith.constant 0 : i32
      %dma_start3A_114 = arith.constant 0 : i32
      %dma_start3A_115 = tpu.memref_slice %arg11[%dma_start3A_113, %dma_start3A_114] : memref<100x24xf32, #tpu.memory_space<vmem_shared>> -> memref<100x24xf32, #tpu.memory_space<vmem_shared>>
      tpu.enqueue_indirect_dma source(%dma_start3A_115 : memref<100x24xf32, #tpu.memory_space<vmem_shared>>) target(%dma_start3A_110 : memref<128x24xf32, #tpu.memory_space<vmem>>) offsets(%dma_start3A_112 : memref<128xi32, #tpu.memory_space<vmem>>) semaphore(%arg12 : memref<!tpu.dma_semaphore, #tpu.memory_space<semaphore_mem>>)
      %dma_start3A_116 = arith.constant 1664 : i32
      %dma_start3A_117 = arith.constant 0 : i32
      %dma_start3A_118 = tpu.memref_slice %arg10[%dma_start3A_116, %dma_start3A_117] : memref<3128x24xf32, #tpu.memory_space<vmem>> -> memref<128x24xf32, #tpu.memory_space<vmem>>
      %dma_start3A_119 = arith.constant 1664 : i32
      %dma_start3A_120 = tpu.memref_slice %arg7[%dma_start3A_119] : memref<3128xi32, #tpu.memory_space<vmem>> -> memref<128xi32, #tpu.memory_space<vmem>>
      %dma_start3A_121 = arith.constant 0 : i32
      %dma_start3A_122 = arith.constant 0 : i32
      %dma_start3A_123 = tpu.memref_slice %arg11[%dma_start3A_121, %dma_start3A_122] : memref<100x24xf32, #tpu.memory_space<vmem_shared>> -> memref<100x24xf32, #tpu.memory_space<vmem_shared>>
      tpu.enqueue_indirect_dma source(%dma_start3A_123 : memref<100x24xf32, #tpu.memory_space<vmem_shared>>) target(%dma_start3A_118 : memref<128x24xf32, #tpu.memory_space<vmem>>) offsets(%dma_start3A_120 : memref<128xi32, #tpu.memory_space<vmem>>) semaphore(%arg12 : memref<!tpu.dma_semaphore, #tpu.memory_space<semaphore_mem>>)
      %dma_start3A_124 = arith.constant 1792 : i32
      %dma_start3A_125 = arith.constant 0 : i32
      %dma_start3A_126 = tpu.memref_slice %arg10[%dma_start3A_124, %dma_start3A_125] : memref<3128x24xf32, #tpu.memory_space<vmem>> -> memref<128x24xf32, #tpu.memory_space<vmem>>
      %dma_start3A_127 = arith.constant 1792 : i32
      %dma_start3A_128 = tpu.memref_slice %arg7[%dma_start3A_127] : memref<3128xi32, #tpu.memory_space<vmem>> -> memref<128xi32, #tpu.memory_space<vmem>>
      %dma_start3A_129 = arith.constant 0 : i32
      %dma_start3A_130 = arith.constant 0 : i32
      %dma_start3A_131 = tpu.memref_slice %arg11[%dma_start3A_129, %dma_start3A_130] : memref<100x24xf32, #tpu.memory_space<vmem_shared>> -> memref<100x24xf32, #tpu.memory_space<vmem_shared>>
      tpu.enqueue_indirect_dma source(%dma_start3A_131 : memref<100x24xf32, #tpu.memory_space<vmem_shared>>) target(%dma_start3A_126 : memref<128x24xf32, #tpu.memory_space<vmem>>) offsets(%dma_start3A_128 : memref<128xi32, #tpu.memory_space<vmem>>) semaphore(%arg12 : memref<!tpu.dma_semaphore, #tpu.memory_space<semaphore_mem>>)
      %dma_start3A_132 = arith.constant 1920 : i32
      %dma_start3A_133 = arith.constant 0 : i32
      %dma_start3A_134 = tpu.memref_slice %arg10[%dma_start3A_132, %dma_start3A_133] : memref<3128x24xf32, #tpu.memory_space<vmem>> -> memref<128x24xf32, #tpu.memory_space<vmem>>
      %dma_start3A_135 = arith.constant 1920 : i32
      %dma_start3A_136 = tpu.memref_slice %arg7[%dma_start3A_135] : memref<3128xi32, #tpu.memory_space<vmem>> -> memref<128xi32, #tpu.memory_space<vmem>>
      %dma_start3A_137 = arith.constant 0 : i32
      %dma_start3A_138 = arith.constant 0 : i32
      %dma_start3A_139 = tpu.memref_slice %arg11[%dma_start3A_137, %dma_start3A_138] : memref<100x24xf32, #tpu.memory_space<vmem_shared>> -> memref<100x24xf32, #tpu.memory_space<vmem_shared>>
      tpu.enqueue_indirect_dma source(%dma_start3A_139 : memref<100x24xf32, #tpu.memory_space<vmem_shared>>) target(%dma_start3A_134 : memref<128x24xf32, #tpu.memory_space<vmem>>) offsets(%dma_start3A_136 : memref<128xi32, #tpu.memory_space<vmem>>) semaphore(%arg12 : memref<!tpu.dma_semaphore, #tpu.memory_space<semaphore_mem>>)
      %dma_start3A_140 = arith.constant 2048 : i32
      %dma_start3A_141 = arith.constant 0 : i32
      %dma_start3A_142 = tpu.memref_slice %arg10[%dma_start3A_140, %dma_start3A_141] : memref<3128x24xf32, #tpu.memory_space<vmem>> -> memref<128x24xf32, #tpu.memory_space<vmem>>
      %dma_start3A_143 = arith.constant 2048 : i32
      %dma_start3A_144 = tpu.memref_slice %arg7[%dma_start3A_143] : memref<3128xi32, #tpu.memory_space<vmem>> -> memref<128xi32, #tpu.memory_space<vmem>>
      %dma_start3A_145 = arith.constant 0 : i32
      %dma_start3A_146 = arith.constant 0 : i32
      %dma_start3A_147 = tpu.memref_slice %arg11[%dma_start3A_145, %dma_start3A_146] : memref<100x24xf32, #tpu.memory_space<vmem_shared>> -> memref<100x24xf32, #tpu.memory_space<vmem_shared>>
      tpu.enqueue_indirect_dma source(%dma_start3A_147 : memref<100x24xf32, #tpu.memory_space<vmem_shared>>) target(%dma_start3A_142 : memref<128x24xf32, #tpu.memory_space<vmem>>) offsets(%dma_start3A_144 : memref<128xi32, #tpu.memory_space<vmem>>) semaphore(%arg12 : memref<!tpu.dma_semaphore, #tpu.memory_space<semaphore_mem>>)
      %dma_start3A_148 = arith.constant 2176 : i32
      %dma_start3A_149 = arith.constant 0 : i32
      %dma_start3A_150 = tpu.memref_slice %arg10[%dma_start3A_148, %dma_start3A_149] : memref<3128x24xf32, #tpu.memory_space<vmem>> -> memref<128x24xf32, #tpu.memory_space<vmem>>
      %dma_start3A_151 = arith.constant 2176 : i32
      %dma_start3A_152 = tpu.memref_slice %arg7[%dma_start3A_151] : memref<3128xi32, #tpu.memory_space<vmem>> -> memref<128xi32, #tpu.memory_space<vmem>>
      %dma_start3A_153 = arith.constant 0 : i32
      %dma_start3A_154 = arith.constant 0 : i32
      %dma_start3A_155 = tpu.memref_slice %arg11[%dma_start3A_153, %dma_start3A_154] : memref<100x24xf32, #tpu.memory_space<vmem_shared>> -> memref<100x24xf32, #tpu.memory_space<vmem_shared>>
      tpu.enqueue_indirect_dma source(%dma_start3A_155 : memref<100x24xf32, #tpu.memory_space<vmem_shared>>) target(%dma_start3A_150 : memref<128x24xf32, #tpu.memory_space<vmem>>) offsets(%dma_start3A_152 : memref<128xi32, #tpu.memory_space<vmem>>) semaphore(%arg12 : memref<!tpu.dma_semaphore, #tpu.memory_space<semaphore_mem>>)
      %dma_start3A_156 = arith.constant 2304 : i32
      %dma_start3A_157 = arith.constant 0 : i32
      %dma_start3A_158 = tpu.memref_slice %arg10[%dma_start3A_156, %dma_start3A_157] : memref<3128x24xf32, #tpu.memory_space<vmem>> -> memref<128x24xf32, #tpu.memory_space<vmem>>
      %dma_start3A_159 = arith.constant 2304 : i32
      %dma_start3A_160 = tpu.memref_slice %arg7[%dma_start3A_159] : memref<3128xi32, #tpu.memory_space<vmem>> -> memref<128xi32, #tpu.memory_space<vmem>>
      %dma_start3A_161 = arith.constant 0 : i32
      %dma_start3A_162 = arith.constant 0 : i32
      %dma_start3A_163 = tpu.memref_slice %arg11[%dma_start3A_161, %dma_start3A_162] : memref<100x24xf32, #tpu.memory_space<vmem_shared>> -> memref<100x24xf32, #tpu.memory_space<vmem_shared>>
      tpu.enqueue_indirect_dma source(%dma_start3A_163 : memref<100x24xf32, #tpu.memory_space<vmem_shared>>) target(%dma_start3A_158 : memref<128x24xf32, #tpu.memory_space<vmem>>) offsets(%dma_start3A_160 : memref<128xi32, #tpu.memory_space<vmem>>) semaphore(%arg12 : memref<!tpu.dma_semaphore, #tpu.memory_space<semaphore_mem>>)
      %dma_start3A_164 = arith.constant 2432 : i32
      %dma_start3A_165 = arith.constant 0 : i32
      %dma_start3A_166 = tpu.memref_slice %arg10[%dma_start3A_164, %dma_start3A_165] : memref<3128x24xf32, #tpu.memory_space<vmem>> -> memref<128x24xf32, #tpu.memory_space<vmem>>
      %dma_start3A_167 = arith.constant 2432 : i32
      %dma_start3A_168 = tpu.memref_slice %arg7[%dma_start3A_167] : memref<3128xi32, #tpu.memory_space<vmem>> -> memref<128xi32, #tpu.memory_space<vmem>>
      %dma_start3A_169 = arith.constant 0 : i32
      %dma_start3A_170 = arith.constant 0 : i32
      %dma_start3A_171 = tpu.memref_slice %arg11[%dma_start3A_169, %dma_start3A_170] : memref<100x24xf32, #tpu.memory_space<vmem_shared>> -> memref<100x24xf32, #tpu.memory_space<vmem_shared>>
      tpu.enqueue_indirect_dma source(%dma_start3A_171 : memref<100x24xf32, #tpu.memory_space<vmem_shared>>) target(%dma_start3A_166 : memref<128x24xf32, #tpu.memory_space<vmem>>) offsets(%dma_start3A_168 : memref<128xi32, #tpu.memory_space<vmem>>) semaphore(%arg12 : memref<!tpu.dma_semaphore, #tpu.memory_space<semaphore_mem>>)
      %dma_start3A_172 = arith.constant 2560 : i32
      %dma_start3A_173 = arith.constant 0 : i32
      %dma_start3A_174 = tpu.memref_slice %arg10[%dma_start3A_172, %dma_start3A_173] : memref<3128x24xf32, #tpu.memory_space<vmem>> -> memref<128x24xf32, #tpu.memory_space<vmem>>
      %dma_start3A_175 = arith.constant 2560 : i32
      %dma_start3A_176 = tpu.memref_slice %arg7[%dma_start3A_175] : memref<3128xi32, #tpu.memory_space<vmem>> -> memref<128xi32, #tpu.memory_space<vmem>>
      %dma_start3A_177 = arith.constant 0 : i32
      %dma_start3A_178 = arith.constant 0 : i32
      %dma_start3A_179 = tpu.memref_slice %arg11[%dma_start3A_177, %dma_start3A_178] : memref<100x24xf32, #tpu.memory_space<vmem_shared>> -> memref<100x24xf32, #tpu.memory_space<vmem_shared>>
      tpu.enqueue_indirect_dma source(%dma_start3A_179 : memref<100x24xf32, #tpu.memory_space<vmem_shared>>) target(%dma_start3A_174 : memref<128x24xf32, #tpu.memory_space<vmem>>) offsets(%dma_start3A_176 : memref<128xi32, #tpu.memory_space<vmem>>) semaphore(%arg12 : memref<!tpu.dma_semaphore, #tpu.memory_space<semaphore_mem>>)
      %dma_start3A_180 = arith.constant 2688 : i32
      %dma_start3A_181 = arith.constant 0 : i32
      %dma_start3A_182 = tpu.memref_slice %arg10[%dma_start3A_180, %dma_start3A_181] : memref<3128x24xf32, #tpu.memory_space<vmem>> -> memref<128x24xf32, #tpu.memory_space<vmem>>
      %dma_start3A_183 = arith.constant 2688 : i32
      %dma_start3A_184 = tpu.memref_slice %arg7[%dma_start3A_183] : memref<3128xi32, #tpu.memory_space<vmem>> -> memref<128xi32, #tpu.memory_space<vmem>>
      %dma_start3A_185 = arith.constant 0 : i32
      %dma_start3A_186 = arith.constant 0 : i32
      %dma_start3A_187 = tpu.memref_slice %arg11[%dma_start3A_185, %dma_start3A_186] : memref<100x24xf32, #tpu.memory_space<vmem_shared>> -> memref<100x24xf32, #tpu.memory_space<vmem_shared>>
      tpu.enqueue_indirect_dma source(%dma_start3A_187 : memref<100x24xf32, #tpu.memory_space<vmem_shared>>) target(%dma_start3A_182 : memref<128x24xf32, #tpu.memory_space<vmem>>) offsets(%dma_start3A_184 : memref<128xi32, #tpu.memory_space<vmem>>) semaphore(%arg12 : memref<!tpu.dma_semaphore, #tpu.memory_space<semaphore_mem>>)
      %dma_start3A_188 = arith.constant 2816 : i32
      %dma_start3A_189 = arith.constant 0 : i32
      %dma_start3A_190 = tpu.memref_slice %arg10[%dma_start3A_188, %dma_start3A_189] : memref<3128x24xf32, #tpu.memory_space<vmem>> -> memref<128x24xf32, #tpu.memory_space<vmem>>
      %dma_start3A_191 = arith.constant 2816 : i32
      %dma_start3A_192 = tpu.memref_slice %arg7[%dma_start3A_191] : memref<3128xi32, #tpu.memory_space<vmem>> -> memref<128xi32, #tpu.memory_space<vmem>>
      %dma_start3A_193 = arith.constant 0 : i32
      %dma_start3A_194 = arith.constant 0 : i32
      %dma_start3A_195 = tpu.memref_slice %arg11[%dma_start3A_193, %dma_start3A_194] : memref<100x24xf32, #tpu.memory_space<vmem_shared>> -> memref<100x24xf32, #tpu.memory_space<vmem_shared>>
      tpu.enqueue_indirect_dma source(%dma_start3A_195 : memref<100x24xf32, #tpu.memory_space<vmem_shared>>) target(%dma_start3A_190 : memref<128x24xf32, #tpu.memory_space<vmem>>) offsets(%dma_start3A_192 : memref<128xi32, #tpu.memory_space<vmem>>) semaphore(%arg12 : memref<!tpu.dma_semaphore, #tpu.memory_space<semaphore_mem>>)
      %dma_start3A_196 = arith.constant 2944 : i32
      %dma_start3A_197 = arith.constant 0 : i32
      %dma_start3A_198 = tpu.memref_slice %arg10[%dma_start3A_196, %dma_start3A_197] : memref<3128x24xf32, #tpu.memory_space<vmem>> -> memref<128x24xf32, #tpu.memory_space<vmem>>
      %dma_start3A_199 = arith.constant 2944 : i32
      %dma_start3A_200 = tpu.memref_slice %arg7[%dma_start3A_199] : memref<3128xi32, #tpu.memory_space<vmem>> -> memref<128xi32, #tpu.memory_space<vmem>>
      %dma_start3A_201 = arith.constant 0 : i32
      %dma_start3A_202 = arith.constant 0 : i32
      %dma_start3A_203 = tpu.memref_slice %arg11[%dma_start3A_201, %dma_start3A_202] : memref<100x24xf32, #tpu.memory_space<vmem_shared>> -> memref<100x24xf32, #tpu.memory_space<vmem_shared>>
      tpu.enqueue_indirect_dma source(%dma_start3A_203 : memref<100x24xf32, #tpu.memory_space<vmem_shared>>) target(%dma_start3A_198 : memref<128x24xf32, #tpu.memory_space<vmem>>) offsets(%dma_start3A_200 : memref<128xi32, #tpu.memory_space<vmem>>) semaphore(%arg12 : memref<!tpu.dma_semaphore, #tpu.memory_space<semaphore_mem>>)
      %dma_start3A_204 = arith.constant 3072 : i32
      %dma_start3A_205 = arith.constant 0 : i32
      %dma_start3A_206 = tpu.memref_slice %arg10[%dma_start3A_204, %dma_start3A_205] : memref<3128x24xf32, #tpu.memory_space<vmem>> -> memref<56x24xf32, #tpu.memory_space<vmem>>
      %dma_start3A_207 = arith.constant 3072 : i32
      %dma_start3A_208 = tpu.memref_slice %arg7[%dma_start3A_207] : memref<3128xi32, #tpu.memory_space<vmem>> -> memref<56xi32, #tpu.memory_space<vmem>>
      %dma_start3A_209 = arith.constant 0 : i32
      %dma_start3A_210 = arith.constant 0 : i32
      %dma_start3A_211 = tpu.memref_slice %arg11[%dma_start3A_209, %dma_start3A_210] : memref<100x24xf32, #tpu.memory_space<vmem_shared>> -> memref<100x24xf32, #tpu.memory_space<vmem_shared>>
      tpu.enqueue_indirect_dma source(%dma_start3A_211 : memref<100x24xf32, #tpu.memory_space<vmem_shared>>) target(%dma_start3A_206 : memref<56x24xf32, #tpu.memory_space<vmem>>) offsets(%dma_start3A_208 : memref<56xi32, #tpu.memory_space<vmem>>) semaphore(%arg12 : memref<!tpu.dma_semaphore, #tpu.memory_space<semaphore_mem>>)
      "tpu.region"() ({
        %run_scoped3A = tpu.sem_alloc : memref<!tpu.dma_semaphore, #tpu.memory_space<semaphore_mem>>
        %dma_start3A_425 = arith.constant 0 : i32
        %dma_start3A_426 = tpu.memref_slice %arg8[%dma_start3A_425] : memref<3128xi32, #tpu.memory_space<vmem>> -> memref<3128xi32, #tpu.memory_space<vmem>>
        %dma_start3A_427 = tpu.memref_slice %arg4[%mul3A_12] : memref<100000xi32, #tpu.memory_space<hbm>> -> memref<3128xi32, #tpu.memory_space<hbm>>
        %dma_start3A_428 = arith.constant 0 : i32
        %dma_start3A_429 = tpu.memref_slice %arg8[%dma_start3A_428] : memref<3128xi32, #tpu.memory_space<vmem>> -> memref<3128xi32, #tpu.memory_space<vmem>>
        %dma_start3A_430 = tpu.memref_slice %arg4[%mul3A_12] : memref<100000xi32, #tpu.memory_space<hbm>> -> memref<3128xi32, #tpu.memory_space<hbm>>
        tpu.enqueue_dma source(%dma_start3A_430 : memref<3128xi32, #tpu.memory_space<hbm>>) target(%dma_start3A_429 : memref<3128xi32, #tpu.memory_space<vmem>>) target_semaphore(%run_scoped3A : memref<!tpu.dma_semaphore, #tpu.memory_space<semaphore_mem>>)
        %dma_wait3A_431 = arith.constant 0 : i32
        %dma_wait3A_432 = tpu.memref_slice %arg8[%dma_wait3A_431] : memref<3128xi32, #tpu.memory_space<vmem>> -> memref<3128xi32, #tpu.memory_space<vmem>>
        %dma_wait3A_433 = tpu.memref_slice %arg4[%mul3A_12] : memref<100000xi32, #tpu.memory_space<hbm>> -> memref<3128xi32, #tpu.memory_space<hbm>>
        %dma_wait3A_434 = arith.constant 0 : i32
        %dma_wait3A_435 = tpu.memref_slice %arg8[%dma_wait3A_434] : memref<3128xi32, #tpu.memory_space<vmem>> -> memref<3128xi32, #tpu.memory_space<vmem>>
        %dma_wait3A_436 = tpu.memref_slice %arg4[%mul3A_12] : memref<100000xi32, #tpu.memory_space<hbm>> -> memref<3128xi32, #tpu.memory_space<hbm>>
        tpu.wait_dma2 semaphore(%run_scoped3A : memref<!tpu.dma_semaphore, #tpu.memory_space<semaphore_mem>>) src(%dma_wait3A_436 : memref<3128xi32, #tpu.memory_space<hbm>>) dst(%dma_wait3A_435 : memref<3128xi32, #tpu.memory_space<vmem>>)
        tpu.yield
      }) : () -> ()
      %mul3A_212 = arith.constant 4 : i32
      %mul3A_213 = arith.muli %mul3A_12, %mul3A_212 : i32
      "tpu.region"() ({
        %run_scoped3A = tpu.sem_alloc : memref<!tpu.dma_semaphore, #tpu.memory_space<semaphore_mem>>
        %dma_start3A_425 = arith.constant 0 : i32
        %dma_start3A_426 = tpu.memref_slice %arg9[%dma_start3A_425] : memref<12512xf32, #tpu.memory_space<vmem>> -> memref<12512xf32, #tpu.memory_space<vmem>>
        %dma_start3A_427 = tpu.memref_slice %arg5[%mul3A_213] : memref<400000xf32, #tpu.memory_space<hbm>> -> memref<12512xf32, #tpu.memory_space<hbm>>
        %dma_start3A_428 = arith.constant 0 : i32
        %dma_start3A_429 = tpu.memref_slice %arg9[%dma_start3A_428] : memref<12512xf32, #tpu.memory_space<vmem>> -> memref<12512xf32, #tpu.memory_space<vmem>>
        %dma_start3A_430 = tpu.memref_slice %arg5[%mul3A_213] : memref<400000xf32, #tpu.memory_space<hbm>> -> memref<12512xf32, #tpu.memory_space<hbm>>
        tpu.enqueue_dma source(%dma_start3A_430 : memref<12512xf32, #tpu.memory_space<hbm>>) target(%dma_start3A_429 : memref<12512xf32, #tpu.memory_space<vmem>>) target_semaphore(%run_scoped3A : memref<!tpu.dma_semaphore, #tpu.memory_space<semaphore_mem>>)
        %dma_wait3A_431 = arith.constant 0 : i32
        %dma_wait3A_432 = tpu.memref_slice %arg9[%dma_wait3A_431] : memref<12512xf32, #tpu.memory_space<vmem>> -> memref<12512xf32, #tpu.memory_space<vmem>>
        %dma_wait3A_433 = tpu.memref_slice %arg5[%mul3A_213] : memref<400000xf32, #tpu.memory_space<hbm>> -> memref<12512xf32, #tpu.memory_space<hbm>>
        %dma_wait3A_434 = arith.constant 0 : i32
        %dma_wait3A_435 = tpu.memref_slice %arg9[%dma_wait3A_434] : memref<12512xf32, #tpu.memory_space<vmem>> -> memref<12512xf32, #tpu.memory_space<vmem>>
        %dma_wait3A_436 = tpu.memref_slice %arg5[%mul3A_213] : memref<400000xf32, #tpu.memory_space<hbm>> -> memref<12512xf32, #tpu.memory_space<hbm>>
        tpu.wait_dma2 semaphore(%run_scoped3A : memref<!tpu.dma_semaphore, #tpu.memory_space<semaphore_mem>>) src(%dma_wait3A_436 : memref<12512xf32, #tpu.memory_space<hbm>>) dst(%dma_wait3A_435 : memref<12512xf32, #tpu.memory_space<vmem>>)
        tpu.yield
      }) : () -> ()
      %dma_wait3A = arith.constant 0 : i32
      %dma_wait3A_214 = arith.constant 0 : i32
      %dma_wait3A_215 = tpu.memref_slice %arg10[%dma_wait3A, %dma_wait3A_214] : memref<3128x24xf32, #tpu.memory_space<vmem>> -> memref<128x24xf32, #tpu.memory_space<vmem>>
      %dma_wait3A_216 = arith.constant 0 : i32
      %dma_wait3A_217 = tpu.memref_slice %arg7[%dma_wait3A_216] : memref<3128xi32, #tpu.memory_space<vmem>> -> memref<128xi32, #tpu.memory_space<vmem>>
      %dma_wait3A_218 = arith.constant 0 : i32
      %dma_wait3A_219 = arith.constant 0 : i32
      %dma_wait3A_220 = tpu.memref_slice %arg11[%dma_wait3A_218, %dma_wait3A_219] : memref<100x24xf32, #tpu.memory_space<vmem_shared>> -> memref<100x24xf32, #tpu.memory_space<vmem_shared>>
      tpu.wait_indirect_dma semaphore(%arg12 : memref<!tpu.dma_semaphore, #tpu.memory_space<semaphore_mem>>) src(%dma_wait3A_220 : memref<100x24xf32, #tpu.memory_space<vmem_shared>>) dst(%dma_wait3A_215 : memref<128x24xf32, #tpu.memory_space<vmem>>)
      %dma_wait3A_221 = arith.constant 128 : i32
      %dma_wait3A_222 = arith.constant 0 : i32
      %dma_wait3A_223 = tpu.memref_slice %arg10[%dma_wait3A_221, %dma_wait3A_222] : memref<3128x24xf32, #tpu.memory_space<vmem>> -> memref<128x24xf32, #tpu.memory_space<vmem>>
      %dma_wait3A_224 = arith.constant 128 : i32
      %dma_wait3A_225 = tpu.memref_slice %arg7[%dma_wait3A_224] : memref<3128xi32, #tpu.memory_space<vmem>> -> memref<128xi32, #tpu.memory_space<vmem>>
      %dma_wait3A_226 = arith.constant 0 : i32
      %dma_wait3A_227 = arith.constant 0 : i32
      %dma_wait3A_228 = tpu.memref_slice %arg11[%dma_wait3A_226, %dma_wait3A_227] : memref<100x24xf32, #tpu.memory_space<vmem_shared>> -> memref<100x24xf32, #tpu.memory_space<vmem_shared>>
      tpu.wait_indirect_dma semaphore(%arg12 : memref<!tpu.dma_semaphore, #tpu.memory_space<semaphore_mem>>) src(%dma_wait3A_228 : memref<100x24xf32, #tpu.memory_space<vmem_shared>>) dst(%dma_wait3A_223 : memref<128x24xf32, #tpu.memory_space<vmem>>)
      %dma_wait3A_229 = arith.constant 256 : i32
      %dma_wait3A_230 = arith.constant 0 : i32
      %dma_wait3A_231 = tpu.memref_slice %arg10[%dma_wait3A_229, %dma_wait3A_230] : memref<3128x24xf32, #tpu.memory_space<vmem>> -> memref<128x24xf32, #tpu.memory_space<vmem>>
      %dma_wait3A_232 = arith.constant 256 : i32
      %dma_wait3A_233 = tpu.memref_slice %arg7[%dma_wait3A_232] : memref<3128xi32, #tpu.memory_space<vmem>> -> memref<128xi32, #tpu.memory_space<vmem>>
      %dma_wait3A_234 = arith.constant 0 : i32
      %dma_wait3A_235 = arith.constant 0 : i32
      %dma_wait3A_236 = tpu.memref_slice %arg11[%dma_wait3A_234, %dma_wait3A_235] : memref<100x24xf32, #tpu.memory_space<vmem_shared>> -> memref<100x24xf32, #tpu.memory_space<vmem_shared>>
      tpu.wait_indirect_dma semaphore(%arg12 : memref<!tpu.dma_semaphore, #tpu.memory_space<semaphore_mem>>) src(%dma_wait3A_236 : memref<100x24xf32, #tpu.memory_space<vmem_shared>>) dst(%dma_wait3A_231 : memref<128x24xf32, #tpu.memory_space<vmem>>)
      %dma_wait3A_237 = arith.constant 384 : i32
      %dma_wait3A_238 = arith.constant 0 : i32
      %dma_wait3A_239 = tpu.memref_slice %arg10[%dma_wait3A_237, %dma_wait3A_238] : memref<3128x24xf32, #tpu.memory_space<vmem>> -> memref<128x24xf32, #tpu.memory_space<vmem>>
      %dma_wait3A_240 = arith.constant 384 : i32
      %dma_wait3A_241 = tpu.memref_slice %arg7[%dma_wait3A_240] : memref<3128xi32, #tpu.memory_space<vmem>> -> memref<128xi32, #tpu.memory_space<vmem>>
      %dma_wait3A_242 = arith.constant 0 : i32
      %dma_wait3A_243 = arith.constant 0 : i32
      %dma_wait3A_244 = tpu.memref_slice %arg11[%dma_wait3A_242, %dma_wait3A_243] : memref<100x24xf32, #tpu.memory_space<vmem_shared>> -> memref<100x24xf32, #tpu.memory_space<vmem_shared>>
      tpu.wait_indirect_dma semaphore(%arg12 : memref<!tpu.dma_semaphore, #tpu.memory_space<semaphore_mem>>) src(%dma_wait3A_244 : memref<100x24xf32, #tpu.memory_space<vmem_shared>>) dst(%dma_wait3A_239 : memref<128x24xf32, #tpu.memory_space<vmem>>)
      %dma_wait3A_245 = arith.constant 512 : i32
      %dma_wait3A_246 = arith.constant 0 : i32
      %dma_wait3A_247 = tpu.memref_slice %arg10[%dma_wait3A_245, %dma_wait3A_246] : memref<3128x24xf32, #tpu.memory_space<vmem>> -> memref<128x24xf32, #tpu.memory_space<vmem>>
      %dma_wait3A_248 = arith.constant 512 : i32
      %dma_wait3A_249 = tpu.memref_slice %arg7[%dma_wait3A_248] : memref<3128xi32, #tpu.memory_space<vmem>> -> memref<128xi32, #tpu.memory_space<vmem>>
      %dma_wait3A_250 = arith.constant 0 : i32
      %dma_wait3A_251 = arith.constant 0 : i32
      %dma_wait3A_252 = tpu.memref_slice %arg11[%dma_wait3A_250, %dma_wait3A_251] : memref<100x24xf32, #tpu.memory_space<vmem_shared>> -> memref<100x24xf32, #tpu.memory_space<vmem_shared>>
      tpu.wait_indirect_dma semaphore(%arg12 : memref<!tpu.dma_semaphore, #tpu.memory_space<semaphore_mem>>) src(%dma_wait3A_252 : memref<100x24xf32, #tpu.memory_space<vmem_shared>>) dst(%dma_wait3A_247 : memref<128x24xf32, #tpu.memory_space<vmem>>)
      %dma_wait3A_253 = arith.constant 640 : i32
      %dma_wait3A_254 = arith.constant 0 : i32
      %dma_wait3A_255 = tpu.memref_slice %arg10[%dma_wait3A_253, %dma_wait3A_254] : memref<3128x24xf32, #tpu.memory_space<vmem>> -> memref<128x24xf32, #tpu.memory_space<vmem>>
      %dma_wait3A_256 = arith.constant 640 : i32
      %dma_wait3A_257 = tpu.memref_slice %arg7[%dma_wait3A_256] : memref<3128xi32, #tpu.memory_space<vmem>> -> memref<128xi32, #tpu.memory_space<vmem>>
      %dma_wait3A_258 = arith.constant 0 : i32
      %dma_wait3A_259 = arith.constant 0 : i32
      %dma_wait3A_260 = tpu.memref_slice %arg11[%dma_wait3A_258, %dma_wait3A_259] : memref<100x24xf32, #tpu.memory_space<vmem_shared>> -> memref<100x24xf32, #tpu.memory_space<vmem_shared>>
      tpu.wait_indirect_dma semaphore(%arg12 : memref<!tpu.dma_semaphore, #tpu.memory_space<semaphore_mem>>) src(%dma_wait3A_260 : memref<100x24xf32, #tpu.memory_space<vmem_shared>>) dst(%dma_wait3A_255 : memref<128x24xf32, #tpu.memory_space<vmem>>)
      %dma_wait3A_261 = arith.constant 768 : i32
      %dma_wait3A_262 = arith.constant 0 : i32
      %dma_wait3A_263 = tpu.memref_slice %arg10[%dma_wait3A_261, %dma_wait3A_262] : memref<3128x24xf32, #tpu.memory_space<vmem>> -> memref<128x24xf32, #tpu.memory_space<vmem>>
      %dma_wait3A_264 = arith.constant 768 : i32
      %dma_wait3A_265 = tpu.memref_slice %arg7[%dma_wait3A_264] : memref<3128xi32, #tpu.memory_space<vmem>> -> memref<128xi32, #tpu.memory_space<vmem>>
      %dma_wait3A_266 = arith.constant 0 : i32
      %dma_wait3A_267 = arith.constant 0 : i32
      %dma_wait3A_268 = tpu.memref_slice %arg11[%dma_wait3A_266, %dma_wait3A_267] : memref<100x24xf32, #tpu.memory_space<vmem_shared>> -> memref<100x24xf32, #tpu.memory_space<vmem_shared>>
      tpu.wait_indirect_dma semaphore(%arg12 : memref<!tpu.dma_semaphore, #tpu.memory_space<semaphore_mem>>) src(%dma_wait3A_268 : memref<100x24xf32, #tpu.memory_space<vmem_shared>>) dst(%dma_wait3A_263 : memref<128x24xf32, #tpu.memory_space<vmem>>)
      %dma_wait3A_269 = arith.constant 896 : i32
      %dma_wait3A_270 = arith.constant 0 : i32
      %dma_wait3A_271 = tpu.memref_slice %arg10[%dma_wait3A_269, %dma_wait3A_270] : memref<3128x24xf32, #tpu.memory_space<vmem>> -> memref<128x24xf32, #tpu.memory_space<vmem>>
      %dma_wait3A_272 = arith.constant 896 : i32
      %dma_wait3A_273 = tpu.memref_slice %arg7[%dma_wait3A_272] : memref<3128xi32, #tpu.memory_space<vmem>> -> memref<128xi32, #tpu.memory_space<vmem>>
      %dma_wait3A_274 = arith.constant 0 : i32
      %dma_wait3A_275 = arith.constant 0 : i32
      %dma_wait3A_276 = tpu.memref_slice %arg11[%dma_wait3A_274, %dma_wait3A_275] : memref<100x24xf32, #tpu.memory_space<vmem_shared>> -> memref<100x24xf32, #tpu.memory_space<vmem_shared>>
      tpu.wait_indirect_dma semaphore(%arg12 : memref<!tpu.dma_semaphore, #tpu.memory_space<semaphore_mem>>) src(%dma_wait3A_276 : memref<100x24xf32, #tpu.memory_space<vmem_shared>>) dst(%dma_wait3A_271 : memref<128x24xf32, #tpu.memory_space<vmem>>)
      %dma_wait3A_277 = arith.constant 1024 : i32
      %dma_wait3A_278 = arith.constant 0 : i32
      %dma_wait3A_279 = tpu.memref_slice %arg10[%dma_wait3A_277, %dma_wait3A_278] : memref<3128x24xf32, #tpu.memory_space<vmem>> -> memref<128x24xf32, #tpu.memory_space<vmem>>
      %dma_wait3A_280 = arith.constant 1024 : i32
      %dma_wait3A_281 = tpu.memref_slice %arg7[%dma_wait3A_280] : memref<3128xi32, #tpu.memory_space<vmem>> -> memref<128xi32, #tpu.memory_space<vmem>>
      %dma_wait3A_282 = arith.constant 0 : i32
      %dma_wait3A_283 = arith.constant 0 : i32
      %dma_wait3A_284 = tpu.memref_slice %arg11[%dma_wait3A_282, %dma_wait3A_283] : memref<100x24xf32, #tpu.memory_space<vmem_shared>> -> memref<100x24xf32, #tpu.memory_space<vmem_shared>>
      tpu.wait_indirect_dma semaphore(%arg12 : memref<!tpu.dma_semaphore, #tpu.memory_space<semaphore_mem>>) src(%dma_wait3A_284 : memref<100x24xf32, #tpu.memory_space<vmem_shared>>) dst(%dma_wait3A_279 : memref<128x24xf32, #tpu.memory_space<vmem>>)
      %dma_wait3A_285 = arith.constant 1152 : i32
      %dma_wait3A_286 = arith.constant 0 : i32
      %dma_wait3A_287 = tpu.memref_slice %arg10[%dma_wait3A_285, %dma_wait3A_286] : memref<3128x24xf32, #tpu.memory_space<vmem>> -> memref<128x24xf32, #tpu.memory_space<vmem>>
      %dma_wait3A_288 = arith.constant 1152 : i32
      %dma_wait3A_289 = tpu.memref_slice %arg7[%dma_wait3A_288] : memref<3128xi32, #tpu.memory_space<vmem>> -> memref<128xi32, #tpu.memory_space<vmem>>
      %dma_wait3A_290 = arith.constant 0 : i32
      %dma_wait3A_291 = arith.constant 0 : i32
      %dma_wait3A_292 = tpu.memref_slice %arg11[%dma_wait3A_290, %dma_wait3A_291] : memref<100x24xf32, #tpu.memory_space<vmem_shared>> -> memref<100x24xf32, #tpu.memory_space<vmem_shared>>
      tpu.wait_indirect_dma semaphore(%arg12 : memref<!tpu.dma_semaphore, #tpu.memory_space<semaphore_mem>>) src(%dma_wait3A_292 : memref<100x24xf32, #tpu.memory_space<vmem_shared>>) dst(%dma_wait3A_287 : memref<128x24xf32, #tpu.memory_space<vmem>>)
      %dma_wait3A_293 = arith.constant 1280 : i32
      %dma_wait3A_294 = arith.constant 0 : i32
      %dma_wait3A_295 = tpu.memref_slice %arg10[%dma_wait3A_293, %dma_wait3A_294] : memref<3128x24xf32, #tpu.memory_space<vmem>> -> memref<128x24xf32, #tpu.memory_space<vmem>>
      %dma_wait3A_296 = arith.constant 1280 : i32
      %dma_wait3A_297 = tpu.memref_slice %arg7[%dma_wait3A_296] : memref<3128xi32, #tpu.memory_space<vmem>> -> memref<128xi32, #tpu.memory_space<vmem>>
      %dma_wait3A_298 = arith.constant 0 : i32
      %dma_wait3A_299 = arith.constant 0 : i32
      %dma_wait3A_300 = tpu.memref_slice %arg11[%dma_wait3A_298, %dma_wait3A_299] : memref<100x24xf32, #tpu.memory_space<vmem_shared>> -> memref<100x24xf32, #tpu.memory_space<vmem_shared>>
      tpu.wait_indirect_dma semaphore(%arg12 : memref<!tpu.dma_semaphore, #tpu.memory_space<semaphore_mem>>) src(%dma_wait3A_300 : memref<100x24xf32, #tpu.memory_space<vmem_shared>>) dst(%dma_wait3A_295 : memref<128x24xf32, #tpu.memory_space<vmem>>)
      %dma_wait3A_301 = arith.constant 1408 : i32
      %dma_wait3A_302 = arith.constant 0 : i32
      %dma_wait3A_303 = tpu.memref_slice %arg10[%dma_wait3A_301, %dma_wait3A_302] : memref<3128x24xf32, #tpu.memory_space<vmem>> -> memref<128x24xf32, #tpu.memory_space<vmem>>
      %dma_wait3A_304 = arith.constant 1408 : i32
      %dma_wait3A_305 = tpu.memref_slice %arg7[%dma_wait3A_304] : memref<3128xi32, #tpu.memory_space<vmem>> -> memref<128xi32, #tpu.memory_space<vmem>>
      %dma_wait3A_306 = arith.constant 0 : i32
      %dma_wait3A_307 = arith.constant 0 : i32
      %dma_wait3A_308 = tpu.memref_slice %arg11[%dma_wait3A_306, %dma_wait3A_307] : memref<100x24xf32, #tpu.memory_space<vmem_shared>> -> memref<100x24xf32, #tpu.memory_space<vmem_shared>>
      tpu.wait_indirect_dma semaphore(%arg12 : memref<!tpu.dma_semaphore, #tpu.memory_space<semaphore_mem>>) src(%dma_wait3A_308 : memref<100x24xf32, #tpu.memory_space<vmem_shared>>) dst(%dma_wait3A_303 : memref<128x24xf32, #tpu.memory_space<vmem>>)
      %dma_wait3A_309 = arith.constant 1536 : i32
      %dma_wait3A_310 = arith.constant 0 : i32
      %dma_wait3A_311 = tpu.memref_slice %arg10[%dma_wait3A_309, %dma_wait3A_310] : memref<3128x24xf32, #tpu.memory_space<vmem>> -> memref<128x24xf32, #tpu.memory_space<vmem>>
      %dma_wait3A_312 = arith.constant 1536 : i32
      %dma_wait3A_313 = tpu.memref_slice %arg7[%dma_wait3A_312] : memref<3128xi32, #tpu.memory_space<vmem>> -> memref<128xi32, #tpu.memory_space<vmem>>
      %dma_wait3A_314 = arith.constant 0 : i32
      %dma_wait3A_315 = arith.constant 0 : i32
      %dma_wait3A_316 = tpu.memref_slice %arg11[%dma_wait3A_314, %dma_wait3A_315] : memref<100x24xf32, #tpu.memory_space<vmem_shared>> -> memref<100x24xf32, #tpu.memory_space<vmem_shared>>
      tpu.wait_indirect_dma semaphore(%arg12 : memref<!tpu.dma_semaphore, #tpu.memory_space<semaphore_mem>>) src(%dma_wait3A_316 : memref<100x24xf32, #tpu.memory_space<vmem_shared>>) dst(%dma_wait3A_311 : memref<128x24xf32, #tpu.memory_space<vmem>>)
      %dma_wait3A_317 = arith.constant 1664 : i32
      %dma_wait3A_318 = arith.constant 0 : i32
      %dma_wait3A_319 = tpu.memref_slice %arg10[%dma_wait3A_317, %dma_wait3A_318] : memref<3128x24xf32, #tpu.memory_space<vmem>> -> memref<128x24xf32, #tpu.memory_space<vmem>>
      %dma_wait3A_320 = arith.constant 1664 : i32
      %dma_wait3A_321 = tpu.memref_slice %arg7[%dma_wait3A_320] : memref<3128xi32, #tpu.memory_space<vmem>> -> memref<128xi32, #tpu.memory_space<vmem>>
      %dma_wait3A_322 = arith.constant 0 : i32
      %dma_wait3A_323 = arith.constant 0 : i32
      %dma_wait3A_324 = tpu.memref_slice %arg11[%dma_wait3A_322, %dma_wait3A_323] : memref<100x24xf32, #tpu.memory_space<vmem_shared>> -> memref<100x24xf32, #tpu.memory_space<vmem_shared>>
      tpu.wait_indirect_dma semaphore(%arg12 : memref<!tpu.dma_semaphore, #tpu.memory_space<semaphore_mem>>) src(%dma_wait3A_324 : memref<100x24xf32, #tpu.memory_space<vmem_shared>>) dst(%dma_wait3A_319 : memref<128x24xf32, #tpu.memory_space<vmem>>)
      %dma_wait3A_325 = arith.constant 1792 : i32
      %dma_wait3A_326 = arith.constant 0 : i32
      %dma_wait3A_327 = tpu.memref_slice %arg10[%dma_wait3A_325, %dma_wait3A_326] : memref<3128x24xf32, #tpu.memory_space<vmem>> -> memref<128x24xf32, #tpu.memory_space<vmem>>
      %dma_wait3A_328 = arith.constant 1792 : i32
      %dma_wait3A_329 = tpu.memref_slice %arg7[%dma_wait3A_328] : memref<3128xi32, #tpu.memory_space<vmem>> -> memref<128xi32, #tpu.memory_space<vmem>>
      %dma_wait3A_330 = arith.constant 0 : i32
      %dma_wait3A_331 = arith.constant 0 : i32
      %dma_wait3A_332 = tpu.memref_slice %arg11[%dma_wait3A_330, %dma_wait3A_331] : memref<100x24xf32, #tpu.memory_space<vmem_shared>> -> memref<100x24xf32, #tpu.memory_space<vmem_shared>>
      tpu.wait_indirect_dma semaphore(%arg12 : memref<!tpu.dma_semaphore, #tpu.memory_space<semaphore_mem>>) src(%dma_wait3A_332 : memref<100x24xf32, #tpu.memory_space<vmem_shared>>) dst(%dma_wait3A_327 : memref<128x24xf32, #tpu.memory_space<vmem>>)
      %dma_wait3A_333 = arith.constant 1920 : i32
      %dma_wait3A_334 = arith.constant 0 : i32
      %dma_wait3A_335 = tpu.memref_slice %arg10[%dma_wait3A_333, %dma_wait3A_334] : memref<3128x24xf32, #tpu.memory_space<vmem>> -> memref<128x24xf32, #tpu.memory_space<vmem>>
      %dma_wait3A_336 = arith.constant 1920 : i32
      %dma_wait3A_337 = tpu.memref_slice %arg7[%dma_wait3A_336] : memref<3128xi32, #tpu.memory_space<vmem>> -> memref<128xi32, #tpu.memory_space<vmem>>
      %dma_wait3A_338 = arith.constant 0 : i32
      %dma_wait3A_339 = arith.constant 0 : i32
      %dma_wait3A_340 = tpu.memref_slice %arg11[%dma_wait3A_338, %dma_wait3A_339] : memref<100x24xf32, #tpu.memory_space<vmem_shared>> -> memref<100x24xf32, #tpu.memory_space<vmem_shared>>
      tpu.wait_indirect_dma semaphore(%arg12 : memref<!tpu.dma_semaphore, #tpu.memory_space<semaphore_mem>>) src(%dma_wait3A_340 : memref<100x24xf32, #tpu.memory_space<vmem_shared>>) dst(%dma_wait3A_335 : memref<128x24xf32, #tpu.memory_space<vmem>>)
      %dma_wait3A_341 = arith.constant 2048 : i32
      %dma_wait3A_342 = arith.constant 0 : i32
      %dma_wait3A_343 = tpu.memref_slice %arg10[%dma_wait3A_341, %dma_wait3A_342] : memref<3128x24xf32, #tpu.memory_space<vmem>> -> memref<128x24xf32, #tpu.memory_space<vmem>>
      %dma_wait3A_344 = arith.constant 2048 : i32
      %dma_wait3A_345 = tpu.memref_slice %arg7[%dma_wait3A_344] : memref<3128xi32, #tpu.memory_space<vmem>> -> memref<128xi32, #tpu.memory_space<vmem>>
      %dma_wait3A_346 = arith.constant 0 : i32
      %dma_wait3A_347 = arith.constant 0 : i32
      %dma_wait3A_348 = tpu.memref_slice %arg11[%dma_wait3A_346, %dma_wait3A_347] : memref<100x24xf32, #tpu.memory_space<vmem_shared>> -> memref<100x24xf32, #tpu.memory_space<vmem_shared>>
      tpu.wait_indirect_dma semaphore(%arg12 : memref<!tpu.dma_semaphore, #tpu.memory_space<semaphore_mem>>) src(%dma_wait3A_348 : memref<100x24xf32, #tpu.memory_space<vmem_shared>>) dst(%dma_wait3A_343 : memref<128x24xf32, #tpu.memory_space<vmem>>)
      %dma_wait3A_349 = arith.constant 2176 : i32
      %dma_wait3A_350 = arith.constant 0 : i32
      %dma_wait3A_351 = tpu.memref_slice %arg10[%dma_wait3A_349, %dma_wait3A_350] : memref<3128x24xf32, #tpu.memory_space<vmem>> -> memref<128x24xf32, #tpu.memory_space<vmem>>
      %dma_wait3A_352 = arith.constant 2176 : i32
      %dma_wait3A_353 = tpu.memref_slice %arg7[%dma_wait3A_352] : memref<3128xi32, #tpu.memory_space<vmem>> -> memref<128xi32, #tpu.memory_space<vmem>>
      %dma_wait3A_354 = arith.constant 0 : i32
      %dma_wait3A_355 = arith.constant 0 : i32
      %dma_wait3A_356 = tpu.memref_slice %arg11[%dma_wait3A_354, %dma_wait3A_355] : memref<100x24xf32, #tpu.memory_space<vmem_shared>> -> memref<100x24xf32, #tpu.memory_space<vmem_shared>>
      tpu.wait_indirect_dma semaphore(%arg12 : memref<!tpu.dma_semaphore, #tpu.memory_space<semaphore_mem>>) src(%dma_wait3A_356 : memref<100x24xf32, #tpu.memory_space<vmem_shared>>) dst(%dma_wait3A_351 : memref<128x24xf32, #tpu.memory_space<vmem>>)
      %dma_wait3A_357 = arith.constant 2304 : i32
      %dma_wait3A_358 = arith.constant 0 : i32
      %dma_wait3A_359 = tpu.memref_slice %arg10[%dma_wait3A_357, %dma_wait3A_358] : memref<3128x24xf32, #tpu.memory_space<vmem>> -> memref<128x24xf32, #tpu.memory_space<vmem>>
      %dma_wait3A_360 = arith.constant 2304 : i32
      %dma_wait3A_361 = tpu.memref_slice %arg7[%dma_wait3A_360] : memref<3128xi32, #tpu.memory_space<vmem>> -> memref<128xi32, #tpu.memory_space<vmem>>
      %dma_wait3A_362 = arith.constant 0 : i32
      %dma_wait3A_363 = arith.constant 0 : i32
      %dma_wait3A_364 = tpu.memref_slice %arg11[%dma_wait3A_362, %dma_wait3A_363] : memref<100x24xf32, #tpu.memory_space<vmem_shared>> -> memref<100x24xf32, #tpu.memory_space<vmem_shared>>
      tpu.wait_indirect_dma semaphore(%arg12 : memref<!tpu.dma_semaphore, #tpu.memory_space<semaphore_mem>>) src(%dma_wait3A_364 : memref<100x24xf32, #tpu.memory_space<vmem_shared>>) dst(%dma_wait3A_359 : memref<128x24xf32, #tpu.memory_space<vmem>>)
      %dma_wait3A_365 = arith.constant 2432 : i32
      %dma_wait3A_366 = arith.constant 0 : i32
      %dma_wait3A_367 = tpu.memref_slice %arg10[%dma_wait3A_365, %dma_wait3A_366] : memref<3128x24xf32, #tpu.memory_space<vmem>> -> memref<128x24xf32, #tpu.memory_space<vmem>>
      %dma_wait3A_368 = arith.constant 2432 : i32
      %dma_wait3A_369 = tpu.memref_slice %arg7[%dma_wait3A_368] : memref<3128xi32, #tpu.memory_space<vmem>> -> memref<128xi32, #tpu.memory_space<vmem>>
      %dma_wait3A_370 = arith.constant 0 : i32
      %dma_wait3A_371 = arith.constant 0 : i32
      %dma_wait3A_372 = tpu.memref_slice %arg11[%dma_wait3A_370, %dma_wait3A_371] : memref<100x24xf32, #tpu.memory_space<vmem_shared>> -> memref<100x24xf32, #tpu.memory_space<vmem_shared>>
      tpu.wait_indirect_dma semaphore(%arg12 : memref<!tpu.dma_semaphore, #tpu.memory_space<semaphore_mem>>) src(%dma_wait3A_372 : memref<100x24xf32, #tpu.memory_space<vmem_shared>>) dst(%dma_wait3A_367 : memref<128x24xf32, #tpu.memory_space<vmem>>)
      %dma_wait3A_373 = arith.constant 2560 : i32
      %dma_wait3A_374 = arith.constant 0 : i32
      %dma_wait3A_375 = tpu.memref_slice %arg10[%dma_wait3A_373, %dma_wait3A_374] : memref<3128x24xf32, #tpu.memory_space<vmem>> -> memref<128x24xf32, #tpu.memory_space<vmem>>
      %dma_wait3A_376 = arith.constant 2560 : i32
      %dma_wait3A_377 = tpu.memref_slice %arg7[%dma_wait3A_376] : memref<3128xi32, #tpu.memory_space<vmem>> -> memref<128xi32, #tpu.memory_space<vmem>>
      %dma_wait3A_378 = arith.constant 0 : i32
      %dma_wait3A_379 = arith.constant 0 : i32
      %dma_wait3A_380 = tpu.memref_slice %arg11[%dma_wait3A_378, %dma_wait3A_379] : memref<100x24xf32, #tpu.memory_space<vmem_shared>> -> memref<100x24xf32, #tpu.memory_space<vmem_shared>>
      tpu.wait_indirect_dma semaphore(%arg12 : memref<!tpu.dma_semaphore, #tpu.memory_space<semaphore_mem>>) src(%dma_wait3A_380 : memref<100x24xf32, #tpu.memory_space<vmem_shared>>) dst(%dma_wait3A_375 : memref<128x24xf32, #tpu.memory_space<vmem>>)
      %dma_wait3A_381 = arith.constant 2688 : i32
      %dma_wait3A_382 = arith.constant 0 : i32
      %dma_wait3A_383 = tpu.memref_slice %arg10[%dma_wait3A_381, %dma_wait3A_382] : memref<3128x24xf32, #tpu.memory_space<vmem>> -> memref<128x24xf32, #tpu.memory_space<vmem>>
      %dma_wait3A_384 = arith.constant 2688 : i32
      %dma_wait3A_385 = tpu.memref_slice %arg7[%dma_wait3A_384] : memref<3128xi32, #tpu.memory_space<vmem>> -> memref<128xi32, #tpu.memory_space<vmem>>
      %dma_wait3A_386 = arith.constant 0 : i32
      %dma_wait3A_387 = arith.constant 0 : i32
      %dma_wait3A_388 = tpu.memref_slice %arg11[%dma_wait3A_386, %dma_wait3A_387] : memref<100x24xf32, #tpu.memory_space<vmem_shared>> -> memref<100x24xf32, #tpu.memory_space<vmem_shared>>
      tpu.wait_indirect_dma semaphore(%arg12 : memref<!tpu.dma_semaphore, #tpu.memory_space<semaphore_mem>>) src(%dma_wait3A_388 : memref<100x24xf32, #tpu.memory_space<vmem_shared>>) dst(%dma_wait3A_383 : memref<128x24xf32, #tpu.memory_space<vmem>>)
      %dma_wait3A_389 = arith.constant 2816 : i32
      %dma_wait3A_390 = arith.constant 0 : i32
      %dma_wait3A_391 = tpu.memref_slice %arg10[%dma_wait3A_389, %dma_wait3A_390] : memref<3128x24xf32, #tpu.memory_space<vmem>> -> memref<128x24xf32, #tpu.memory_space<vmem>>
      %dma_wait3A_392 = arith.constant 2816 : i32
      %dma_wait3A_393 = tpu.memref_slice %arg7[%dma_wait3A_392] : memref<3128xi32, #tpu.memory_space<vmem>> -> memref<128xi32, #tpu.memory_space<vmem>>
      %dma_wait3A_394 = arith.constant 0 : i32
      %dma_wait3A_395 = arith.constant 0 : i32
      %dma_wait3A_396 = tpu.memref_slice %arg11[%dma_wait3A_394, %dma_wait3A_395] : memref<100x24xf32, #tpu.memory_space<vmem_shared>> -> memref<100x24xf32, #tpu.memory_space<vmem_shared>>
      tpu.wait_indirect_dma semaphore(%arg12 : memref<!tpu.dma_semaphore, #tpu.memory_space<semaphore_mem>>) src(%dma_wait3A_396 : memref<100x24xf32, #tpu.memory_space<vmem_shared>>) dst(%dma_wait3A_391 : memref<128x24xf32, #tpu.memory_space<vmem>>)
      %dma_wait3A_397 = arith.constant 2944 : i32
      %dma_wait3A_398 = arith.constant 0 : i32
      %dma_wait3A_399 = tpu.memref_slice %arg10[%dma_wait3A_397, %dma_wait3A_398] : memref<3128x24xf32, #tpu.memory_space<vmem>> -> memref<128x24xf32, #tpu.memory_space<vmem>>
      %dma_wait3A_400 = arith.constant 2944 : i32
      %dma_wait3A_401 = tpu.memref_slice %arg7[%dma_wait3A_400] : memref<3128xi32, #tpu.memory_space<vmem>> -> memref<128xi32, #tpu.memory_space<vmem>>
      %dma_wait3A_402 = arith.constant 0 : i32
      %dma_wait3A_403 = arith.constant 0 : i32
      %dma_wait3A_404 = tpu.memref_slice %arg11[%dma_wait3A_402, %dma_wait3A_403] : memref<100x24xf32, #tpu.memory_space<vmem_shared>> -> memref<100x24xf32, #tpu.memory_space<vmem_shared>>
      tpu.wait_indirect_dma semaphore(%arg12 : memref<!tpu.dma_semaphore, #tpu.memory_space<semaphore_mem>>) src(%dma_wait3A_404 : memref<100x24xf32, #tpu.memory_space<vmem_shared>>) dst(%dma_wait3A_399 : memref<128x24xf32, #tpu.memory_space<vmem>>)
      %dma_wait3A_405 = arith.constant 3072 : i32
      %dma_wait3A_406 = arith.constant 0 : i32
      %dma_wait3A_407 = tpu.memref_slice %arg10[%dma_wait3A_405, %dma_wait3A_406] : memref<3128x24xf32, #tpu.memory_space<vmem>> -> memref<56x24xf32, #tpu.memory_space<vmem>>
      %dma_wait3A_408 = arith.constant 3072 : i32
      %dma_wait3A_409 = tpu.memref_slice %arg7[%dma_wait3A_408] : memref<3128xi32, #tpu.memory_space<vmem>> -> memref<56xi32, #tpu.memory_space<vmem>>
      %dma_wait3A_410 = arith.constant 0 : i32
      %dma_wait3A_411 = arith.constant 0 : i32
      %dma_wait3A_412 = tpu.memref_slice %arg11[%dma_wait3A_410, %dma_wait3A_411] : memref<100x24xf32, #tpu.memory_space<vmem_shared>> -> memref<100x24xf32, #tpu.memory_space<vmem_shared>>
      tpu.wait_indirect_dma semaphore(%arg12 : memref<!tpu.dma_semaphore, #tpu.memory_space<semaphore_mem>>) src(%dma_wait3A_412 : memref<100x24xf32, #tpu.memory_space<vmem_shared>>) dst(%dma_wait3A_407 : memref<56x24xf32, #tpu.memory_space<vmem>>)
      %iota3A = tpu.iota {dimensions = array<i32: 0>} : vector<16xi32>
      %shift_right_arithmetic3A = arith.constant 2 : i32
      %shift_right_arithmetic3A_413 = vector.broadcast %shift_right_arithmetic3A : i32 to vector<16xi32>
      %shift_right_arithmetic3A_414 = arith.shrsi %iota3A, %shift_right_arithmetic3A_413 : vector<16xi32>
      %and3A = arith.constant 3 : i32
      %and3A_415 = vector.broadcast %and3A : i32 to vector<16xi32>
      %and3A_416 = arith.andi %iota3A, %and3A_415 : vector<16xi32>
      %add3A_417 = arith.constant 16 : i32
      %add3A_418 = vector.broadcast %add3A_417 : i32 to vector<16xi32>
      %add3A_419 = arith.addi %and3A_416, %add3A_418 : vector<16xi32>
      %scan3A = arith.constant 0 : i32
      %scan3A_420 = arith.constant 0 : i32
      %scan3A_421 = arith.constant 782 : i32
      %scan3A_422 = arith.addi %scan3A_420, %scan3A_421 : i32
      %scan3A_423 = arith.constant 1 : i32
      scf.for %scan3A_425 = %scan3A_420 to %scan3A_422 step %scan3A_423  : i32 {
        %mul3A_426 = arith.constant 4 : i32
        %mul3A_427 = arith.muli %scan3A_425, %mul3A_426 : i32
        %add3A_428 = vector.broadcast %mul3A_427 : i32 to vector<16xi32>
        %add3A_429 = arith.addi %shift_right_arithmetic3A_414, %add3A_428 : vector<16xi32>
        %gather3A = tpu.vector_load_idx %arg8[%add3A_429] : memref<3128xi32, #tpu.memory_space<vmem>>[vector<16xi32>], vector<16xi32>,
        %mul3A_430 = arith.constant 16 : i32
        %mul3A_431 = arith.muli %scan3A_425, %mul3A_430 : i32
        %get3A = arith.index_cast %mul3A_431 : i32 to index
        %get3A_432 = tpu.vector_load %arg9[%get3A] {strides = array<i32>} : memref<12512xf32, #tpu.memory_space<vmem>>, vector<16xf32>,
        %eq3A_433 = arith.constant 1 : i32
        %eq3A_434 = vector.broadcast %eq3A_433 : i32 to vector<16xi32>
        %eq3A_435 = arith.cmpi eq, %gather3A, %eq3A_434 : vector<16xi32>
        tpu.vector_store_idx %arg10[%add3A_429, %add3A_419], %get3A_432 masked %eq3A_435 : memref<3128x24xf32, #tpu.memory_space<vmem>>[vector<16xi32>, vector<16xi32>], vector<16xf32>, vector<16xi1>
      }
      %scan3A_424 = arith.constant 782 : i32
      "tpu.region"() ({
        %run_scoped3A = tpu.sem_alloc : memref<!tpu.dma_semaphore, #tpu.memory_space<semaphore_mem>>
        %dma_start3A_425 = arith.constant 0 : i32
        %dma_start3A_426 = arith.constant 0 : i32
        %dma_start3A_427 = tpu.memref_slice %arg10[%dma_start3A_425, %dma_start3A_426] : memref<3128x24xf32, #tpu.memory_space<vmem>> -> memref<3128x24xf32, #tpu.memory_space<vmem>>
        %dma_start3A_428 = arith.constant 0 : i32
        %dma_start3A_429 = tpu.memref_slice %arg6[%mul3A_12, %dma_start3A_428] : memref<100000x24xf32, #tpu.memory_space<hbm>> -> memref<3128x24xf32, #tpu.memory_space<hbm>>
        %dma_start3A_430 = arith.constant 0 : i32
        %dma_start3A_431 = tpu.memref_slice %arg6[%mul3A_12, %dma_start3A_430] : memref<100000x24xf32, #tpu.memory_space<hbm>> -> memref<3128x24xf32, #tpu.memory_space<hbm>>
        %dma_start3A_432 = arith.constant 0 : i32
        %dma_start3A_433 = arith.constant 0 : i32
        %dma_start3A_434 = tpu.memref_slice %arg10[%dma_start3A_432, %dma_start3A_433] : memref<3128x24xf32, #tpu.memory_space<vmem>> -> memref<3128x24xf32, #tpu.memory_space<vmem>>
        tpu.enqueue_dma source(%dma_start3A_434 : memref<3128x24xf32, #tpu.memory_space<vmem>>) target(%dma_start3A_431 : memref<3128x24xf32, #tpu.memory_space<hbm>>) target_semaphore(%run_scoped3A : memref<!tpu.dma_semaphore, #tpu.memory_space<semaphore_mem>>)
        %dma_wait3A_435 = arith.constant 0 : i32
        %dma_wait3A_436 = arith.constant 0 : i32
        %dma_wait3A_437 = tpu.memref_slice %arg10[%dma_wait3A_435, %dma_wait3A_436] : memref<3128x24xf32, #tpu.memory_space<vmem>> -> memref<3128x24xf32, #tpu.memory_space<vmem>>
        %dma_wait3A_438 = arith.constant 0 : i32
        %dma_wait3A_439 = tpu.memref_slice %arg6[%mul3A_12, %dma_wait3A_438] : memref<100000x24xf32, #tpu.memory_space<hbm>> -> memref<3128x24xf32, #tpu.memory_space<hbm>>
        %dma_wait3A_440 = arith.constant 0 : i32
        %dma_wait3A_441 = tpu.memref_slice %arg6[%mul3A_12, %dma_wait3A_440] : memref<100000x24xf32, #tpu.memory_space<hbm>> -> memref<3128x24xf32, #tpu.memory_space<hbm>>
        %dma_wait3A_442 = arith.constant 0 : i32
        %dma_wait3A_443 = arith.constant 0 : i32
        %dma_wait3A_444 = tpu.memref_slice %arg10[%dma_wait3A_442, %dma_wait3A_443] : memref<3128x24xf32, #tpu.memory_space<vmem>> -> memref<3128x24xf32, #tpu.memory_space<vmem>>
        tpu.wait_dma2 semaphore(%run_scoped3A : memref<!tpu.dma_semaphore, #tpu.memory_space<semaphore_mem>>) src(%dma_wait3A_444 : memref<3128x24xf32, #tpu.memory_space<vmem>>) dst(%dma_wait3A_441 : memref<3128x24xf32, #tpu.memory_space<hbm>>)
        tpu.yield
      }) : () -> ()
    } else {
    }
    %ge3A = arith.constant 20 : i32
    %ge3A_7 = arith.cmpi sge, %add3A, %ge3A : i32
    %convert_element_type3A_8 = arith.extui %ge3A_7 : i1 to i32
    %cond3A_9 = arith.constant 0 : i32
    %cond3A_10 = arith.cmpi ne, %convert_element_type3A_8, %cond3A_9 : i32
    scf.if %cond3A_10 {
      %sub3A = arith.constant 20 : i32
      %sub3A_11 = arith.subi %add3A, %sub3A : i32
      %mul3A_12 = arith.constant 3120 : i32
      %mul3A_13 = arith.muli %sub3A_11, %mul3A_12 : i32
      %add3A_14 = arith.constant 62560 : i32
      %add3A_15 = arith.addi %add3A_14, %mul3A_13 : i32
      "tpu.region"() ({
        %run_scoped3A = tpu.sem_alloc : memref<!tpu.dma_semaphore, #tpu.memory_space<semaphore_mem>>
        %dma_start3A_428 = arith.constant 0 : i32
        %dma_start3A_429 = tpu.memref_slice %arg7[%dma_start3A_428] : memref<3128xi32, #tpu.memory_space<vmem>> -> memref<3120xi32, #tpu.memory_space<vmem>>
        %dma_start3A_430 = tpu.memref_slice %arg3[%add3A_15] : memref<100000xi32, #tpu.memory_space<hbm>> -> memref<3120xi32, #tpu.memory_space<hbm>>
        %dma_start3A_431 = arith.constant 0 : i32
        %dma_start3A_432 = tpu.memref_slice %arg7[%dma_start3A_431] : memref<3128xi32, #tpu.memory_space<vmem>> -> memref<3120xi32, #tpu.memory_space<vmem>>
        %dma_start3A_433 = tpu.memref_slice %arg3[%add3A_15] : memref<100000xi32, #tpu.memory_space<hbm>> -> memref<3120xi32, #tpu.memory_space<hbm>>
        tpu.enqueue_dma source(%dma_start3A_433 : memref<3120xi32, #tpu.memory_space<hbm>>) target(%dma_start3A_432 : memref<3120xi32, #tpu.memory_space<vmem>>) target_semaphore(%run_scoped3A : memref<!tpu.dma_semaphore, #tpu.memory_space<semaphore_mem>>)
        %dma_wait3A_434 = arith.constant 0 : i32
        %dma_wait3A_435 = tpu.memref_slice %arg7[%dma_wait3A_434] : memref<3128xi32, #tpu.memory_space<vmem>> -> memref<3120xi32, #tpu.memory_space<vmem>>
        %dma_wait3A_436 = tpu.memref_slice %arg3[%add3A_15] : memref<100000xi32, #tpu.memory_space<hbm>> -> memref<3120xi32, #tpu.memory_space<hbm>>
        %dma_wait3A_437 = arith.constant 0 : i32
        %dma_wait3A_438 = tpu.memref_slice %arg7[%dma_wait3A_437] : memref<3128xi32, #tpu.memory_space<vmem>> -> memref<3120xi32, #tpu.memory_space<vmem>>
        %dma_wait3A_439 = tpu.memref_slice %arg3[%add3A_15] : memref<100000xi32, #tpu.memory_space<hbm>> -> memref<3120xi32, #tpu.memory_space<hbm>>
        tpu.wait_dma2 semaphore(%run_scoped3A : memref<!tpu.dma_semaphore, #tpu.memory_space<semaphore_mem>>) src(%dma_wait3A_439 : memref<3120xi32, #tpu.memory_space<hbm>>) dst(%dma_wait3A_438 : memref<3120xi32, #tpu.memory_space<vmem>>)
        tpu.yield
      }) : () -> ()
      %dma_start3A = arith.constant 0 : i32
      %dma_start3A_16 = arith.constant 0 : i32
      %dma_start3A_17 = tpu.memref_slice %arg10[%dma_start3A, %dma_start3A_16] : memref<3128x24xf32, #tpu.memory_space<vmem>> -> memref<128x24xf32, #tpu.memory_space<vmem>>
      %dma_start3A_18 = arith.constant 0 : i32
      %dma_start3A_19 = tpu.memref_slice %arg7[%dma_start3A_18] : memref<3128xi32, #tpu.memory_space<vmem>> -> memref<128xi32, #tpu.memory_space<vmem>>
      %dma_start3A_20 = arith.constant 0 : i32
      %dma_start3A_21 = arith.constant 0 : i32
      %dma_start3A_22 = tpu.memref_slice %arg11[%dma_start3A_20, %dma_start3A_21] : memref<100x24xf32, #tpu.memory_space<vmem_shared>> -> memref<100x24xf32, #tpu.memory_space<vmem_shared>>
      tpu.enqueue_indirect_dma source(%dma_start3A_22 : memref<100x24xf32, #tpu.memory_space<vmem_shared>>) target(%dma_start3A_17 : memref<128x24xf32, #tpu.memory_space<vmem>>) offsets(%dma_start3A_19 : memref<128xi32, #tpu.memory_space<vmem>>) semaphore(%arg12 : memref<!tpu.dma_semaphore, #tpu.memory_space<semaphore_mem>>)
      %dma_start3A_23 = arith.constant 128 : i32
      %dma_start3A_24 = arith.constant 0 : i32
      %dma_start3A_25 = tpu.memref_slice %arg10[%dma_start3A_23, %dma_start3A_24] : memref<3128x24xf32, #tpu.memory_space<vmem>> -> memref<128x24xf32, #tpu.memory_space<vmem>>
      %dma_start3A_26 = arith.constant 128 : i32
      %dma_start3A_27 = tpu.memref_slice %arg7[%dma_start3A_26] : memref<3128xi32, #tpu.memory_space<vmem>> -> memref<128xi32, #tpu.memory_space<vmem>>
      %dma_start3A_28 = arith.constant 0 : i32
      %dma_start3A_29 = arith.constant 0 : i32
      %dma_start3A_30 = tpu.memref_slice %arg11[%dma_start3A_28, %dma_start3A_29] : memref<100x24xf32, #tpu.memory_space<vmem_shared>> -> memref<100x24xf32, #tpu.memory_space<vmem_shared>>
      tpu.enqueue_indirect_dma source(%dma_start3A_30 : memref<100x24xf32, #tpu.memory_space<vmem_shared>>) target(%dma_start3A_25 : memref<128x24xf32, #tpu.memory_space<vmem>>) offsets(%dma_start3A_27 : memref<128xi32, #tpu.memory_space<vmem>>) semaphore(%arg12 : memref<!tpu.dma_semaphore, #tpu.memory_space<semaphore_mem>>)
      %dma_start3A_31 = arith.constant 256 : i32
      %dma_start3A_32 = arith.constant 0 : i32
      %dma_start3A_33 = tpu.memref_slice %arg10[%dma_start3A_31, %dma_start3A_32] : memref<3128x24xf32, #tpu.memory_space<vmem>> -> memref<128x24xf32, #tpu.memory_space<vmem>>
      %dma_start3A_34 = arith.constant 256 : i32
      %dma_start3A_35 = tpu.memref_slice %arg7[%dma_start3A_34] : memref<3128xi32, #tpu.memory_space<vmem>> -> memref<128xi32, #tpu.memory_space<vmem>>
      %dma_start3A_36 = arith.constant 0 : i32
      %dma_start3A_37 = arith.constant 0 : i32
      %dma_start3A_38 = tpu.memref_slice %arg11[%dma_start3A_36, %dma_start3A_37] : memref<100x24xf32, #tpu.memory_space<vmem_shared>> -> memref<100x24xf32, #tpu.memory_space<vmem_shared>>
      tpu.enqueue_indirect_dma source(%dma_start3A_38 : memref<100x24xf32, #tpu.memory_space<vmem_shared>>) target(%dma_start3A_33 : memref<128x24xf32, #tpu.memory_space<vmem>>) offsets(%dma_start3A_35 : memref<128xi32, #tpu.memory_space<vmem>>) semaphore(%arg12 : memref<!tpu.dma_semaphore, #tpu.memory_space<semaphore_mem>>)
      %dma_start3A_39 = arith.constant 384 : i32
      %dma_start3A_40 = arith.constant 0 : i32
      %dma_start3A_41 = tpu.memref_slice %arg10[%dma_start3A_39, %dma_start3A_40] : memref<3128x24xf32, #tpu.memory_space<vmem>> -> memref<128x24xf32, #tpu.memory_space<vmem>>
      %dma_start3A_42 = arith.constant 384 : i32
      %dma_start3A_43 = tpu.memref_slice %arg7[%dma_start3A_42] : memref<3128xi32, #tpu.memory_space<vmem>> -> memref<128xi32, #tpu.memory_space<vmem>>
      %dma_start3A_44 = arith.constant 0 : i32
      %dma_start3A_45 = arith.constant 0 : i32
      %dma_start3A_46 = tpu.memref_slice %arg11[%dma_start3A_44, %dma_start3A_45] : memref<100x24xf32, #tpu.memory_space<vmem_shared>> -> memref<100x24xf32, #tpu.memory_space<vmem_shared>>
      tpu.enqueue_indirect_dma source(%dma_start3A_46 : memref<100x24xf32, #tpu.memory_space<vmem_shared>>) target(%dma_start3A_41 : memref<128x24xf32, #tpu.memory_space<vmem>>) offsets(%dma_start3A_43 : memref<128xi32, #tpu.memory_space<vmem>>) semaphore(%arg12 : memref<!tpu.dma_semaphore, #tpu.memory_space<semaphore_mem>>)
      %dma_start3A_47 = arith.constant 512 : i32
      %dma_start3A_48 = arith.constant 0 : i32
      %dma_start3A_49 = tpu.memref_slice %arg10[%dma_start3A_47, %dma_start3A_48] : memref<3128x24xf32, #tpu.memory_space<vmem>> -> memref<128x24xf32, #tpu.memory_space<vmem>>
      %dma_start3A_50 = arith.constant 512 : i32
      %dma_start3A_51 = tpu.memref_slice %arg7[%dma_start3A_50] : memref<3128xi32, #tpu.memory_space<vmem>> -> memref<128xi32, #tpu.memory_space<vmem>>
      %dma_start3A_52 = arith.constant 0 : i32
      %dma_start3A_53 = arith.constant 0 : i32
      %dma_start3A_54 = tpu.memref_slice %arg11[%dma_start3A_52, %dma_start3A_53] : memref<100x24xf32, #tpu.memory_space<vmem_shared>> -> memref<100x24xf32, #tpu.memory_space<vmem_shared>>
      tpu.enqueue_indirect_dma source(%dma_start3A_54 : memref<100x24xf32, #tpu.memory_space<vmem_shared>>) target(%dma_start3A_49 : memref<128x24xf32, #tpu.memory_space<vmem>>) offsets(%dma_start3A_51 : memref<128xi32, #tpu.memory_space<vmem>>) semaphore(%arg12 : memref<!tpu.dma_semaphore, #tpu.memory_space<semaphore_mem>>)
      %dma_start3A_55 = arith.constant 640 : i32
      %dma_start3A_56 = arith.constant 0 : i32
      %dma_start3A_57 = tpu.memref_slice %arg10[%dma_start3A_55, %dma_start3A_56] : memref<3128x24xf32, #tpu.memory_space<vmem>> -> memref<128x24xf32, #tpu.memory_space<vmem>>
      %dma_start3A_58 = arith.constant 640 : i32
      %dma_start3A_59 = tpu.memref_slice %arg7[%dma_start3A_58] : memref<3128xi32, #tpu.memory_space<vmem>> -> memref<128xi32, #tpu.memory_space<vmem>>
      %dma_start3A_60 = arith.constant 0 : i32
      %dma_start3A_61 = arith.constant 0 : i32
      %dma_start3A_62 = tpu.memref_slice %arg11[%dma_start3A_60, %dma_start3A_61] : memref<100x24xf32, #tpu.memory_space<vmem_shared>> -> memref<100x24xf32, #tpu.memory_space<vmem_shared>>
      tpu.enqueue_indirect_dma source(%dma_start3A_62 : memref<100x24xf32, #tpu.memory_space<vmem_shared>>) target(%dma_start3A_57 : memref<128x24xf32, #tpu.memory_space<vmem>>) offsets(%dma_start3A_59 : memref<128xi32, #tpu.memory_space<vmem>>) semaphore(%arg12 : memref<!tpu.dma_semaphore, #tpu.memory_space<semaphore_mem>>)
      %dma_start3A_63 = arith.constant 768 : i32
      %dma_start3A_64 = arith.constant 0 : i32
      %dma_start3A_65 = tpu.memref_slice %arg10[%dma_start3A_63, %dma_start3A_64] : memref<3128x24xf32, #tpu.memory_space<vmem>> -> memref<128x24xf32, #tpu.memory_space<vmem>>
      %dma_start3A_66 = arith.constant 768 : i32
      %dma_start3A_67 = tpu.memref_slice %arg7[%dma_start3A_66] : memref<3128xi32, #tpu.memory_space<vmem>> -> memref<128xi32, #tpu.memory_space<vmem>>
      %dma_start3A_68 = arith.constant 0 : i32
      %dma_start3A_69 = arith.constant 0 : i32
      %dma_start3A_70 = tpu.memref_slice %arg11[%dma_start3A_68, %dma_start3A_69] : memref<100x24xf32, #tpu.memory_space<vmem_shared>> -> memref<100x24xf32, #tpu.memory_space<vmem_shared>>
      tpu.enqueue_indirect_dma source(%dma_start3A_70 : memref<100x24xf32, #tpu.memory_space<vmem_shared>>) target(%dma_start3A_65 : memref<128x24xf32, #tpu.memory_space<vmem>>) offsets(%dma_start3A_67 : memref<128xi32, #tpu.memory_space<vmem>>) semaphore(%arg12 : memref<!tpu.dma_semaphore, #tpu.memory_space<semaphore_mem>>)
      %dma_start3A_71 = arith.constant 896 : i32
      %dma_start3A_72 = arith.constant 0 : i32
      %dma_start3A_73 = tpu.memref_slice %arg10[%dma_start3A_71, %dma_start3A_72] : memref<3128x24xf32, #tpu.memory_space<vmem>> -> memref<128x24xf32, #tpu.memory_space<vmem>>
      %dma_start3A_74 = arith.constant 896 : i32
      %dma_start3A_75 = tpu.memref_slice %arg7[%dma_start3A_74] : memref<3128xi32, #tpu.memory_space<vmem>> -> memref<128xi32, #tpu.memory_space<vmem>>
      %dma_start3A_76 = arith.constant 0 : i32
      %dma_start3A_77 = arith.constant 0 : i32
      %dma_start3A_78 = tpu.memref_slice %arg11[%dma_start3A_76, %dma_start3A_77] : memref<100x24xf32, #tpu.memory_space<vmem_shared>> -> memref<100x24xf32, #tpu.memory_space<vmem_shared>>
      tpu.enqueue_indirect_dma source(%dma_start3A_78 : memref<100x24xf32, #tpu.memory_space<vmem_shared>>) target(%dma_start3A_73 : memref<128x24xf32, #tpu.memory_space<vmem>>) offsets(%dma_start3A_75 : memref<128xi32, #tpu.memory_space<vmem>>) semaphore(%arg12 : memref<!tpu.dma_semaphore, #tpu.memory_space<semaphore_mem>>)
      %dma_start3A_79 = arith.constant 1024 : i32
      %dma_start3A_80 = arith.constant 0 : i32
      %dma_start3A_81 = tpu.memref_slice %arg10[%dma_start3A_79, %dma_start3A_80] : memref<3128x24xf32, #tpu.memory_space<vmem>> -> memref<128x24xf32, #tpu.memory_space<vmem>>
      %dma_start3A_82 = arith.constant 1024 : i32
      %dma_start3A_83 = tpu.memref_slice %arg7[%dma_start3A_82] : memref<3128xi32, #tpu.memory_space<vmem>> -> memref<128xi32, #tpu.memory_space<vmem>>
      %dma_start3A_84 = arith.constant 0 : i32
      %dma_start3A_85 = arith.constant 0 : i32
      %dma_start3A_86 = tpu.memref_slice %arg11[%dma_start3A_84, %dma_start3A_85] : memref<100x24xf32, #tpu.memory_space<vmem_shared>> -> memref<100x24xf32, #tpu.memory_space<vmem_shared>>
      tpu.enqueue_indirect_dma source(%dma_start3A_86 : memref<100x24xf32, #tpu.memory_space<vmem_shared>>) target(%dma_start3A_81 : memref<128x24xf32, #tpu.memory_space<vmem>>) offsets(%dma_start3A_83 : memref<128xi32, #tpu.memory_space<vmem>>) semaphore(%arg12 : memref<!tpu.dma_semaphore, #tpu.memory_space<semaphore_mem>>)
      %dma_start3A_87 = arith.constant 1152 : i32
      %dma_start3A_88 = arith.constant 0 : i32
      %dma_start3A_89 = tpu.memref_slice %arg10[%dma_start3A_87, %dma_start3A_88] : memref<3128x24xf32, #tpu.memory_space<vmem>> -> memref<128x24xf32, #tpu.memory_space<vmem>>
      %dma_start3A_90 = arith.constant 1152 : i32
      %dma_start3A_91 = tpu.memref_slice %arg7[%dma_start3A_90] : memref<3128xi32, #tpu.memory_space<vmem>> -> memref<128xi32, #tpu.memory_space<vmem>>
      %dma_start3A_92 = arith.constant 0 : i32
      %dma_start3A_93 = arith.constant 0 : i32
      %dma_start3A_94 = tpu.memref_slice %arg11[%dma_start3A_92, %dma_start3A_93] : memref<100x24xf32, #tpu.memory_space<vmem_shared>> -> memref<100x24xf32, #tpu.memory_space<vmem_shared>>
      tpu.enqueue_indirect_dma source(%dma_start3A_94 : memref<100x24xf32, #tpu.memory_space<vmem_shared>>) target(%dma_start3A_89 : memref<128x24xf32, #tpu.memory_space<vmem>>) offsets(%dma_start3A_91 : memref<128xi32, #tpu.memory_space<vmem>>) semaphore(%arg12 : memref<!tpu.dma_semaphore, #tpu.memory_space<semaphore_mem>>)
      %dma_start3A_95 = arith.constant 1280 : i32
      %dma_start3A_96 = arith.constant 0 : i32
      %dma_start3A_97 = tpu.memref_slice %arg10[%dma_start3A_95, %dma_start3A_96] : memref<3128x24xf32, #tpu.memory_space<vmem>> -> memref<128x24xf32, #tpu.memory_space<vmem>>
      %dma_start3A_98 = arith.constant 1280 : i32
      %dma_start3A_99 = tpu.memref_slice %arg7[%dma_start3A_98] : memref<3128xi32, #tpu.memory_space<vmem>> -> memref<128xi32, #tpu.memory_space<vmem>>
      %dma_start3A_100 = arith.constant 0 : i32
      %dma_start3A_101 = arith.constant 0 : i32
      %dma_start3A_102 = tpu.memref_slice %arg11[%dma_start3A_100, %dma_start3A_101] : memref<100x24xf32, #tpu.memory_space<vmem_shared>> -> memref<100x24xf32, #tpu.memory_space<vmem_shared>>
      tpu.enqueue_indirect_dma source(%dma_start3A_102 : memref<100x24xf32, #tpu.memory_space<vmem_shared>>) target(%dma_start3A_97 : memref<128x24xf32, #tpu.memory_space<vmem>>) offsets(%dma_start3A_99 : memref<128xi32, #tpu.memory_space<vmem>>) semaphore(%arg12 : memref<!tpu.dma_semaphore, #tpu.memory_space<semaphore_mem>>)
      %dma_start3A_103 = arith.constant 1408 : i32
      %dma_start3A_104 = arith.constant 0 : i32
      %dma_start3A_105 = tpu.memref_slice %arg10[%dma_start3A_103, %dma_start3A_104] : memref<3128x24xf32, #tpu.memory_space<vmem>> -> memref<128x24xf32, #tpu.memory_space<vmem>>
      %dma_start3A_106 = arith.constant 1408 : i32
      %dma_start3A_107 = tpu.memref_slice %arg7[%dma_start3A_106] : memref<3128xi32, #tpu.memory_space<vmem>> -> memref<128xi32, #tpu.memory_space<vmem>>
      %dma_start3A_108 = arith.constant 0 : i32
      %dma_start3A_109 = arith.constant 0 : i32
      %dma_start3A_110 = tpu.memref_slice %arg11[%dma_start3A_108, %dma_start3A_109] : memref<100x24xf32, #tpu.memory_space<vmem_shared>> -> memref<100x24xf32, #tpu.memory_space<vmem_shared>>
      tpu.enqueue_indirect_dma source(%dma_start3A_110 : memref<100x24xf32, #tpu.memory_space<vmem_shared>>) target(%dma_start3A_105 : memref<128x24xf32, #tpu.memory_space<vmem>>) offsets(%dma_start3A_107 : memref<128xi32, #tpu.memory_space<vmem>>) semaphore(%arg12 : memref<!tpu.dma_semaphore, #tpu.memory_space<semaphore_mem>>)
      %dma_start3A_111 = arith.constant 1536 : i32
      %dma_start3A_112 = arith.constant 0 : i32
      %dma_start3A_113 = tpu.memref_slice %arg10[%dma_start3A_111, %dma_start3A_112] : memref<3128x24xf32, #tpu.memory_space<vmem>> -> memref<128x24xf32, #tpu.memory_space<vmem>>
      %dma_start3A_114 = arith.constant 1536 : i32
      %dma_start3A_115 = tpu.memref_slice %arg7[%dma_start3A_114] : memref<3128xi32, #tpu.memory_space<vmem>> -> memref<128xi32, #tpu.memory_space<vmem>>
      %dma_start3A_116 = arith.constant 0 : i32
      %dma_start3A_117 = arith.constant 0 : i32
      %dma_start3A_118 = tpu.memref_slice %arg11[%dma_start3A_116, %dma_start3A_117] : memref<100x24xf32, #tpu.memory_space<vmem_shared>> -> memref<100x24xf32, #tpu.memory_space<vmem_shared>>
      tpu.enqueue_indirect_dma source(%dma_start3A_118 : memref<100x24xf32, #tpu.memory_space<vmem_shared>>) target(%dma_start3A_113 : memref<128x24xf32, #tpu.memory_space<vmem>>) offsets(%dma_start3A_115 : memref<128xi32, #tpu.memory_space<vmem>>) semaphore(%arg12 : memref<!tpu.dma_semaphore, #tpu.memory_space<semaphore_mem>>)
      %dma_start3A_119 = arith.constant 1664 : i32
      %dma_start3A_120 = arith.constant 0 : i32
      %dma_start3A_121 = tpu.memref_slice %arg10[%dma_start3A_119, %dma_start3A_120] : memref<3128x24xf32, #tpu.memory_space<vmem>> -> memref<128x24xf32, #tpu.memory_space<vmem>>
      %dma_start3A_122 = arith.constant 1664 : i32
      %dma_start3A_123 = tpu.memref_slice %arg7[%dma_start3A_122] : memref<3128xi32, #tpu.memory_space<vmem>> -> memref<128xi32, #tpu.memory_space<vmem>>
      %dma_start3A_124 = arith.constant 0 : i32
      %dma_start3A_125 = arith.constant 0 : i32
      %dma_start3A_126 = tpu.memref_slice %arg11[%dma_start3A_124, %dma_start3A_125] : memref<100x24xf32, #tpu.memory_space<vmem_shared>> -> memref<100x24xf32, #tpu.memory_space<vmem_shared>>
      tpu.enqueue_indirect_dma source(%dma_start3A_126 : memref<100x24xf32, #tpu.memory_space<vmem_shared>>) target(%dma_start3A_121 : memref<128x24xf32, #tpu.memory_space<vmem>>) offsets(%dma_start3A_123 : memref<128xi32, #tpu.memory_space<vmem>>) semaphore(%arg12 : memref<!tpu.dma_semaphore, #tpu.memory_space<semaphore_mem>>)
      %dma_start3A_127 = arith.constant 1792 : i32
      %dma_start3A_128 = arith.constant 0 : i32
      %dma_start3A_129 = tpu.memref_slice %arg10[%dma_start3A_127, %dma_start3A_128] : memref<3128x24xf32, #tpu.memory_space<vmem>> -> memref<128x24xf32, #tpu.memory_space<vmem>>
      %dma_start3A_130 = arith.constant 1792 : i32
      %dma_start3A_131 = tpu.memref_slice %arg7[%dma_start3A_130] : memref<3128xi32, #tpu.memory_space<vmem>> -> memref<128xi32, #tpu.memory_space<vmem>>
      %dma_start3A_132 = arith.constant 0 : i32
      %dma_start3A_133 = arith.constant 0 : i32
      %dma_start3A_134 = tpu.memref_slice %arg11[%dma_start3A_132, %dma_start3A_133] : memref<100x24xf32, #tpu.memory_space<vmem_shared>> -> memref<100x24xf32, #tpu.memory_space<vmem_shared>>
      tpu.enqueue_indirect_dma source(%dma_start3A_134 : memref<100x24xf32, #tpu.memory_space<vmem_shared>>) target(%dma_start3A_129 : memref<128x24xf32, #tpu.memory_space<vmem>>) offsets(%dma_start3A_131 : memref<128xi32, #tpu.memory_space<vmem>>) semaphore(%arg12 : memref<!tpu.dma_semaphore, #tpu.memory_space<semaphore_mem>>)
      %dma_start3A_135 = arith.constant 1920 : i32
      %dma_start3A_136 = arith.constant 0 : i32
      %dma_start3A_137 = tpu.memref_slice %arg10[%dma_start3A_135, %dma_start3A_136] : memref<3128x24xf32, #tpu.memory_space<vmem>> -> memref<128x24xf32, #tpu.memory_space<vmem>>
      %dma_start3A_138 = arith.constant 1920 : i32
      %dma_start3A_139 = tpu.memref_slice %arg7[%dma_start3A_138] : memref<3128xi32, #tpu.memory_space<vmem>> -> memref<128xi32, #tpu.memory_space<vmem>>
      %dma_start3A_140 = arith.constant 0 : i32
      %dma_start3A_141 = arith.constant 0 : i32
      %dma_start3A_142 = tpu.memref_slice %arg11[%dma_start3A_140, %dma_start3A_141] : memref<100x24xf32, #tpu.memory_space<vmem_shared>> -> memref<100x24xf32, #tpu.memory_space<vmem_shared>>
      tpu.enqueue_indirect_dma source(%dma_start3A_142 : memref<100x24xf32, #tpu.memory_space<vmem_shared>>) target(%dma_start3A_137 : memref<128x24xf32, #tpu.memory_space<vmem>>) offsets(%dma_start3A_139 : memref<128xi32, #tpu.memory_space<vmem>>) semaphore(%arg12 : memref<!tpu.dma_semaphore, #tpu.memory_space<semaphore_mem>>)
      %dma_start3A_143 = arith.constant 2048 : i32
      %dma_start3A_144 = arith.constant 0 : i32
      %dma_start3A_145 = tpu.memref_slice %arg10[%dma_start3A_143, %dma_start3A_144] : memref<3128x24xf32, #tpu.memory_space<vmem>> -> memref<128x24xf32, #tpu.memory_space<vmem>>
      %dma_start3A_146 = arith.constant 2048 : i32
      %dma_start3A_147 = tpu.memref_slice %arg7[%dma_start3A_146] : memref<3128xi32, #tpu.memory_space<vmem>> -> memref<128xi32, #tpu.memory_space<vmem>>
      %dma_start3A_148 = arith.constant 0 : i32
      %dma_start3A_149 = arith.constant 0 : i32
      %dma_start3A_150 = tpu.memref_slice %arg11[%dma_start3A_148, %dma_start3A_149] : memref<100x24xf32, #tpu.memory_space<vmem_shared>> -> memref<100x24xf32, #tpu.memory_space<vmem_shared>>
      tpu.enqueue_indirect_dma source(%dma_start3A_150 : memref<100x24xf32, #tpu.memory_space<vmem_shared>>) target(%dma_start3A_145 : memref<128x24xf32, #tpu.memory_space<vmem>>) offsets(%dma_start3A_147 : memref<128xi32, #tpu.memory_space<vmem>>) semaphore(%arg12 : memref<!tpu.dma_semaphore, #tpu.memory_space<semaphore_mem>>)
      %dma_start3A_151 = arith.constant 2176 : i32
      %dma_start3A_152 = arith.constant 0 : i32
      %dma_start3A_153 = tpu.memref_slice %arg10[%dma_start3A_151, %dma_start3A_152] : memref<3128x24xf32, #tpu.memory_space<vmem>> -> memref<128x24xf32, #tpu.memory_space<vmem>>
      %dma_start3A_154 = arith.constant 2176 : i32
      %dma_start3A_155 = tpu.memref_slice %arg7[%dma_start3A_154] : memref<3128xi32, #tpu.memory_space<vmem>> -> memref<128xi32, #tpu.memory_space<vmem>>
      %dma_start3A_156 = arith.constant 0 : i32
      %dma_start3A_157 = arith.constant 0 : i32
      %dma_start3A_158 = tpu.memref_slice %arg11[%dma_start3A_156, %dma_start3A_157] : memref<100x24xf32, #tpu.memory_space<vmem_shared>> -> memref<100x24xf32, #tpu.memory_space<vmem_shared>>
      tpu.enqueue_indirect_dma source(%dma_start3A_158 : memref<100x24xf32, #tpu.memory_space<vmem_shared>>) target(%dma_start3A_153 : memref<128x24xf32, #tpu.memory_space<vmem>>) offsets(%dma_start3A_155 : memref<128xi32, #tpu.memory_space<vmem>>) semaphore(%arg12 : memref<!tpu.dma_semaphore, #tpu.memory_space<semaphore_mem>>)
      %dma_start3A_159 = arith.constant 2304 : i32
      %dma_start3A_160 = arith.constant 0 : i32
      %dma_start3A_161 = tpu.memref_slice %arg10[%dma_start3A_159, %dma_start3A_160] : memref<3128x24xf32, #tpu.memory_space<vmem>> -> memref<128x24xf32, #tpu.memory_space<vmem>>
      %dma_start3A_162 = arith.constant 2304 : i32
      %dma_start3A_163 = tpu.memref_slice %arg7[%dma_start3A_162] : memref<3128xi32, #tpu.memory_space<vmem>> -> memref<128xi32, #tpu.memory_space<vmem>>
      %dma_start3A_164 = arith.constant 0 : i32
      %dma_start3A_165 = arith.constant 0 : i32
      %dma_start3A_166 = tpu.memref_slice %arg11[%dma_start3A_164, %dma_start3A_165] : memref<100x24xf32, #tpu.memory_space<vmem_shared>> -> memref<100x24xf32, #tpu.memory_space<vmem_shared>>
      tpu.enqueue_indirect_dma source(%dma_start3A_166 : memref<100x24xf32, #tpu.memory_space<vmem_shared>>) target(%dma_start3A_161 : memref<128x24xf32, #tpu.memory_space<vmem>>) offsets(%dma_start3A_163 : memref<128xi32, #tpu.memory_space<vmem>>) semaphore(%arg12 : memref<!tpu.dma_semaphore, #tpu.memory_space<semaphore_mem>>)
      %dma_start3A_167 = arith.constant 2432 : i32
      %dma_start3A_168 = arith.constant 0 : i32
      %dma_start3A_169 = tpu.memref_slice %arg10[%dma_start3A_167, %dma_start3A_168] : memref<3128x24xf32, #tpu.memory_space<vmem>> -> memref<128x24xf32, #tpu.memory_space<vmem>>
      %dma_start3A_170 = arith.constant 2432 : i32
      %dma_start3A_171 = tpu.memref_slice %arg7[%dma_start3A_170] : memref<3128xi32, #tpu.memory_space<vmem>> -> memref<128xi32, #tpu.memory_space<vmem>>
      %dma_start3A_172 = arith.constant 0 : i32
      %dma_start3A_173 = arith.constant 0 : i32
      %dma_start3A_174 = tpu.memref_slice %arg11[%dma_start3A_172, %dma_start3A_173] : memref<100x24xf32, #tpu.memory_space<vmem_shared>> -> memref<100x24xf32, #tpu.memory_space<vmem_shared>>
      tpu.enqueue_indirect_dma source(%dma_start3A_174 : memref<100x24xf32, #tpu.memory_space<vmem_shared>>) target(%dma_start3A_169 : memref<128x24xf32, #tpu.memory_space<vmem>>) offsets(%dma_start3A_171 : memref<128xi32, #tpu.memory_space<vmem>>) semaphore(%arg12 : memref<!tpu.dma_semaphore, #tpu.memory_space<semaphore_mem>>)
      %dma_start3A_175 = arith.constant 2560 : i32
      %dma_start3A_176 = arith.constant 0 : i32
      %dma_start3A_177 = tpu.memref_slice %arg10[%dma_start3A_175, %dma_start3A_176] : memref<3128x24xf32, #tpu.memory_space<vmem>> -> memref<128x24xf32, #tpu.memory_space<vmem>>
      %dma_start3A_178 = arith.constant 2560 : i32
      %dma_start3A_179 = tpu.memref_slice %arg7[%dma_start3A_178] : memref<3128xi32, #tpu.memory_space<vmem>> -> memref<128xi32, #tpu.memory_space<vmem>>
      %dma_start3A_180 = arith.constant 0 : i32
      %dma_start3A_181 = arith.constant 0 : i32
      %dma_start3A_182 = tpu.memref_slice %arg11[%dma_start3A_180, %dma_start3A_181] : memref<100x24xf32, #tpu.memory_space<vmem_shared>> -> memref<100x24xf32, #tpu.memory_space<vmem_shared>>
      tpu.enqueue_indirect_dma source(%dma_start3A_182 : memref<100x24xf32, #tpu.memory_space<vmem_shared>>) target(%dma_start3A_177 : memref<128x24xf32, #tpu.memory_space<vmem>>) offsets(%dma_start3A_179 : memref<128xi32, #tpu.memory_space<vmem>>) semaphore(%arg12 : memref<!tpu.dma_semaphore, #tpu.memory_space<semaphore_mem>>)
      %dma_start3A_183 = arith.constant 2688 : i32
      %dma_start3A_184 = arith.constant 0 : i32
      %dma_start3A_185 = tpu.memref_slice %arg10[%dma_start3A_183, %dma_start3A_184] : memref<3128x24xf32, #tpu.memory_space<vmem>> -> memref<128x24xf32, #tpu.memory_space<vmem>>
      %dma_start3A_186 = arith.constant 2688 : i32
      %dma_start3A_187 = tpu.memref_slice %arg7[%dma_start3A_186] : memref<3128xi32, #tpu.memory_space<vmem>> -> memref<128xi32, #tpu.memory_space<vmem>>
      %dma_start3A_188 = arith.constant 0 : i32
      %dma_start3A_189 = arith.constant 0 : i32
      %dma_start3A_190 = tpu.memref_slice %arg11[%dma_start3A_188, %dma_start3A_189] : memref<100x24xf32, #tpu.memory_space<vmem_shared>> -> memref<100x24xf32, #tpu.memory_space<vmem_shared>>
      tpu.enqueue_indirect_dma source(%dma_start3A_190 : memref<100x24xf32, #tpu.memory_space<vmem_shared>>) target(%dma_start3A_185 : memref<128x24xf32, #tpu.memory_space<vmem>>) offsets(%dma_start3A_187 : memref<128xi32, #tpu.memory_space<vmem>>) semaphore(%arg12 : memref<!tpu.dma_semaphore, #tpu.memory_space<semaphore_mem>>)
      %dma_start3A_191 = arith.constant 2816 : i32
      %dma_start3A_192 = arith.constant 0 : i32
      %dma_start3A_193 = tpu.memref_slice %arg10[%dma_start3A_191, %dma_start3A_192] : memref<3128x24xf32, #tpu.memory_space<vmem>> -> memref<128x24xf32, #tpu.memory_space<vmem>>
      %dma_start3A_194 = arith.constant 2816 : i32
      %dma_start3A_195 = tpu.memref_slice %arg7[%dma_start3A_194] : memref<3128xi32, #tpu.memory_space<vmem>> -> memref<128xi32, #tpu.memory_space<vmem>>
      %dma_start3A_196 = arith.constant 0 : i32
      %dma_start3A_197 = arith.constant 0 : i32
      %dma_start3A_198 = tpu.memref_slice %arg11[%dma_start3A_196, %dma_start3A_197] : memref<100x24xf32, #tpu.memory_space<vmem_shared>> -> memref<100x24xf32, #tpu.memory_space<vmem_shared>>
      tpu.enqueue_indirect_dma source(%dma_start3A_198 : memref<100x24xf32, #tpu.memory_space<vmem_shared>>) target(%dma_start3A_193 : memref<128x24xf32, #tpu.memory_space<vmem>>) offsets(%dma_start3A_195 : memref<128xi32, #tpu.memory_space<vmem>>) semaphore(%arg12 : memref<!tpu.dma_semaphore, #tpu.memory_space<semaphore_mem>>)
      %dma_start3A_199 = arith.constant 2944 : i32
      %dma_start3A_200 = arith.constant 0 : i32
      %dma_start3A_201 = tpu.memref_slice %arg10[%dma_start3A_199, %dma_start3A_200] : memref<3128x24xf32, #tpu.memory_space<vmem>> -> memref<128x24xf32, #tpu.memory_space<vmem>>
      %dma_start3A_202 = arith.constant 2944 : i32
      %dma_start3A_203 = tpu.memref_slice %arg7[%dma_start3A_202] : memref<3128xi32, #tpu.memory_space<vmem>> -> memref<128xi32, #tpu.memory_space<vmem>>
      %dma_start3A_204 = arith.constant 0 : i32
      %dma_start3A_205 = arith.constant 0 : i32
      %dma_start3A_206 = tpu.memref_slice %arg11[%dma_start3A_204, %dma_start3A_205] : memref<100x24xf32, #tpu.memory_space<vmem_shared>> -> memref<100x24xf32, #tpu.memory_space<vmem_shared>>
      tpu.enqueue_indirect_dma source(%dma_start3A_206 : memref<100x24xf32, #tpu.memory_space<vmem_shared>>) target(%dma_start3A_201 : memref<128x24xf32, #tpu.memory_space<vmem>>) offsets(%dma_start3A_203 : memref<128xi32, #tpu.memory_space<vmem>>) semaphore(%arg12 : memref<!tpu.dma_semaphore, #tpu.memory_space<semaphore_mem>>)
      %dma_start3A_207 = arith.constant 3072 : i32
      %dma_start3A_208 = arith.constant 0 : i32
      %dma_start3A_209 = tpu.memref_slice %arg10[%dma_start3A_207, %dma_start3A_208] : memref<3128x24xf32, #tpu.memory_space<vmem>> -> memref<48x24xf32, #tpu.memory_space<vmem>>
      %dma_start3A_210 = arith.constant 3072 : i32
      %dma_start3A_211 = tpu.memref_slice %arg7[%dma_start3A_210] : memref<3128xi32, #tpu.memory_space<vmem>> -> memref<48xi32, #tpu.memory_space<vmem>>
      %dma_start3A_212 = arith.constant 0 : i32
      %dma_start3A_213 = arith.constant 0 : i32
      %dma_start3A_214 = tpu.memref_slice %arg11[%dma_start3A_212, %dma_start3A_213] : memref<100x24xf32, #tpu.memory_space<vmem_shared>> -> memref<100x24xf32, #tpu.memory_space<vmem_shared>>
      tpu.enqueue_indirect_dma source(%dma_start3A_214 : memref<100x24xf32, #tpu.memory_space<vmem_shared>>) target(%dma_start3A_209 : memref<48x24xf32, #tpu.memory_space<vmem>>) offsets(%dma_start3A_211 : memref<48xi32, #tpu.memory_space<vmem>>) semaphore(%arg12 : memref<!tpu.dma_semaphore, #tpu.memory_space<semaphore_mem>>)
      "tpu.region"() ({
        %run_scoped3A = tpu.sem_alloc : memref<!tpu.dma_semaphore, #tpu.memory_space<semaphore_mem>>
        %dma_start3A_428 = arith.constant 0 : i32
        %dma_start3A_429 = tpu.memref_slice %arg8[%dma_start3A_428] : memref<3128xi32, #tpu.memory_space<vmem>> -> memref<3120xi32, #tpu.memory_space<vmem>>
        %dma_start3A_430 = tpu.memref_slice %arg4[%add3A_15] : memref<100000xi32, #tpu.memory_space<hbm>> -> memref<3120xi32, #tpu.memory_space<hbm>>
        %dma_start3A_431 = arith.constant 0 : i32
        %dma_start3A_432 = tpu.memref_slice %arg8[%dma_start3A_431] : memref<3128xi32, #tpu.memory_space<vmem>> -> memref<3120xi32, #tpu.memory_space<vmem>>
        %dma_start3A_433 = tpu.memref_slice %arg4[%add3A_15] : memref<100000xi32, #tpu.memory_space<hbm>> -> memref<3120xi32, #tpu.memory_space<hbm>>
        tpu.enqueue_dma source(%dma_start3A_433 : memref<3120xi32, #tpu.memory_space<hbm>>) target(%dma_start3A_432 : memref<3120xi32, #tpu.memory_space<vmem>>) target_semaphore(%run_scoped3A : memref<!tpu.dma_semaphore, #tpu.memory_space<semaphore_mem>>)
        %dma_wait3A_434 = arith.constant 0 : i32
        %dma_wait3A_435 = tpu.memref_slice %arg8[%dma_wait3A_434] : memref<3128xi32, #tpu.memory_space<vmem>> -> memref<3120xi32, #tpu.memory_space<vmem>>
        %dma_wait3A_436 = tpu.memref_slice %arg4[%add3A_15] : memref<100000xi32, #tpu.memory_space<hbm>> -> memref<3120xi32, #tpu.memory_space<hbm>>
        %dma_wait3A_437 = arith.constant 0 : i32
        %dma_wait3A_438 = tpu.memref_slice %arg8[%dma_wait3A_437] : memref<3128xi32, #tpu.memory_space<vmem>> -> memref<3120xi32, #tpu.memory_space<vmem>>
        %dma_wait3A_439 = tpu.memref_slice %arg4[%add3A_15] : memref<100000xi32, #tpu.memory_space<hbm>> -> memref<3120xi32, #tpu.memory_space<hbm>>
        tpu.wait_dma2 semaphore(%run_scoped3A : memref<!tpu.dma_semaphore, #tpu.memory_space<semaphore_mem>>) src(%dma_wait3A_439 : memref<3120xi32, #tpu.memory_space<hbm>>) dst(%dma_wait3A_438 : memref<3120xi32, #tpu.memory_space<vmem>>)
        tpu.yield
      }) : () -> ()
      %mul3A_215 = arith.constant 4 : i32
      %mul3A_216 = arith.muli %add3A_15, %mul3A_215 : i32
      "tpu.region"() ({
        %run_scoped3A = tpu.sem_alloc : memref<!tpu.dma_semaphore, #tpu.memory_space<semaphore_mem>>
        %dma_start3A_428 = arith.constant 0 : i32
        %dma_start3A_429 = tpu.memref_slice %arg9[%dma_start3A_428] : memref<12512xf32, #tpu.memory_space<vmem>> -> memref<12480xf32, #tpu.memory_space<vmem>>
        %dma_start3A_430 = tpu.memref_slice %arg5[%mul3A_216] : memref<400000xf32, #tpu.memory_space<hbm>> -> memref<12480xf32, #tpu.memory_space<hbm>>
        %dma_start3A_431 = arith.constant 0 : i32
        %dma_start3A_432 = tpu.memref_slice %arg9[%dma_start3A_431] : memref<12512xf32, #tpu.memory_space<vmem>> -> memref<12480xf32, #tpu.memory_space<vmem>>
        %dma_start3A_433 = tpu.memref_slice %arg5[%mul3A_216] : memref<400000xf32, #tpu.memory_space<hbm>> -> memref<12480xf32, #tpu.memory_space<hbm>>
        tpu.enqueue_dma source(%dma_start3A_433 : memref<12480xf32, #tpu.memory_space<hbm>>) target(%dma_start3A_432 : memref<12480xf32, #tpu.memory_space<vmem>>) target_semaphore(%run_scoped3A : memref<!tpu.dma_semaphore, #tpu.memory_space<semaphore_mem>>)
        %dma_wait3A_434 = arith.constant 0 : i32
        %dma_wait3A_435 = tpu.memref_slice %arg9[%dma_wait3A_434] : memref<12512xf32, #tpu.memory_space<vmem>> -> memref<12480xf32, #tpu.memory_space<vmem>>
        %dma_wait3A_436 = tpu.memref_slice %arg5[%mul3A_216] : memref<400000xf32, #tpu.memory_space<hbm>> -> memref<12480xf32, #tpu.memory_space<hbm>>
        %dma_wait3A_437 = arith.constant 0 : i32
        %dma_wait3A_438 = tpu.memref_slice %arg9[%dma_wait3A_437] : memref<12512xf32, #tpu.memory_space<vmem>> -> memref<12480xf32, #tpu.memory_space<vmem>>
        %dma_wait3A_439 = tpu.memref_slice %arg5[%mul3A_216] : memref<400000xf32, #tpu.memory_space<hbm>> -> memref<12480xf32, #tpu.memory_space<hbm>>
        tpu.wait_dma2 semaphore(%run_scoped3A : memref<!tpu.dma_semaphore, #tpu.memory_space<semaphore_mem>>) src(%dma_wait3A_439 : memref<12480xf32, #tpu.memory_space<hbm>>) dst(%dma_wait3A_438 : memref<12480xf32, #tpu.memory_space<vmem>>)
        tpu.yield
      }) : () -> ()
      %dma_wait3A = arith.constant 0 : i32
      %dma_wait3A_217 = arith.constant 0 : i32
      %dma_wait3A_218 = tpu.memref_slice %arg10[%dma_wait3A, %dma_wait3A_217] : memref<3128x24xf32, #tpu.memory_space<vmem>> -> memref<128x24xf32, #tpu.memory_space<vmem>>
      %dma_wait3A_219 = arith.constant 0 : i32
      %dma_wait3A_220 = tpu.memref_slice %arg7[%dma_wait3A_219] : memref<3128xi32, #tpu.memory_space<vmem>> -> memref<128xi32, #tpu.memory_space<vmem>>
      %dma_wait3A_221 = arith.constant 0 : i32
      %dma_wait3A_222 = arith.constant 0 : i32
      %dma_wait3A_223 = tpu.memref_slice %arg11[%dma_wait3A_221, %dma_wait3A_222] : memref<100x24xf32, #tpu.memory_space<vmem_shared>> -> memref<100x24xf32, #tpu.memory_space<vmem_shared>>
      tpu.wait_indirect_dma semaphore(%arg12 : memref<!tpu.dma_semaphore, #tpu.memory_space<semaphore_mem>>) src(%dma_wait3A_223 : memref<100x24xf32, #tpu.memory_space<vmem_shared>>) dst(%dma_wait3A_218 : memref<128x24xf32, #tpu.memory_space<vmem>>)
      %dma_wait3A_224 = arith.constant 128 : i32
      %dma_wait3A_225 = arith.constant 0 : i32
      %dma_wait3A_226 = tpu.memref_slice %arg10[%dma_wait3A_224, %dma_wait3A_225] : memref<3128x24xf32, #tpu.memory_space<vmem>> -> memref<128x24xf32, #tpu.memory_space<vmem>>
      %dma_wait3A_227 = arith.constant 128 : i32
      %dma_wait3A_228 = tpu.memref_slice %arg7[%dma_wait3A_227] : memref<3128xi32, #tpu.memory_space<vmem>> -> memref<128xi32, #tpu.memory_space<vmem>>
      %dma_wait3A_229 = arith.constant 0 : i32
      %dma_wait3A_230 = arith.constant 0 : i32
      %dma_wait3A_231 = tpu.memref_slice %arg11[%dma_wait3A_229, %dma_wait3A_230] : memref<100x24xf32, #tpu.memory_space<vmem_shared>> -> memref<100x24xf32, #tpu.memory_space<vmem_shared>>
      tpu.wait_indirect_dma semaphore(%arg12 : memref<!tpu.dma_semaphore, #tpu.memory_space<semaphore_mem>>) src(%dma_wait3A_231 : memref<100x24xf32, #tpu.memory_space<vmem_shared>>) dst(%dma_wait3A_226 : memref<128x24xf32, #tpu.memory_space<vmem>>)
      %dma_wait3A_232 = arith.constant 256 : i32
      %dma_wait3A_233 = arith.constant 0 : i32
      %dma_wait3A_234 = tpu.memref_slice %arg10[%dma_wait3A_232, %dma_wait3A_233] : memref<3128x24xf32, #tpu.memory_space<vmem>> -> memref<128x24xf32, #tpu.memory_space<vmem>>
      %dma_wait3A_235 = arith.constant 256 : i32
      %dma_wait3A_236 = tpu.memref_slice %arg7[%dma_wait3A_235] : memref<3128xi32, #tpu.memory_space<vmem>> -> memref<128xi32, #tpu.memory_space<vmem>>
      %dma_wait3A_237 = arith.constant 0 : i32
      %dma_wait3A_238 = arith.constant 0 : i32
      %dma_wait3A_239 = tpu.memref_slice %arg11[%dma_wait3A_237, %dma_wait3A_238] : memref<100x24xf32, #tpu.memory_space<vmem_shared>> -> memref<100x24xf32, #tpu.memory_space<vmem_shared>>
      tpu.wait_indirect_dma semaphore(%arg12 : memref<!tpu.dma_semaphore, #tpu.memory_space<semaphore_mem>>) src(%dma_wait3A_239 : memref<100x24xf32, #tpu.memory_space<vmem_shared>>) dst(%dma_wait3A_234 : memref<128x24xf32, #tpu.memory_space<vmem>>)
      %dma_wait3A_240 = arith.constant 384 : i32
      %dma_wait3A_241 = arith.constant 0 : i32
      %dma_wait3A_242 = tpu.memref_slice %arg10[%dma_wait3A_240, %dma_wait3A_241] : memref<3128x24xf32, #tpu.memory_space<vmem>> -> memref<128x24xf32, #tpu.memory_space<vmem>>
      %dma_wait3A_243 = arith.constant 384 : i32
      %dma_wait3A_244 = tpu.memref_slice %arg7[%dma_wait3A_243] : memref<3128xi32, #tpu.memory_space<vmem>> -> memref<128xi32, #tpu.memory_space<vmem>>
      %dma_wait3A_245 = arith.constant 0 : i32
      %dma_wait3A_246 = arith.constant 0 : i32
      %dma_wait3A_247 = tpu.memref_slice %arg11[%dma_wait3A_245, %dma_wait3A_246] : memref<100x24xf32, #tpu.memory_space<vmem_shared>> -> memref<100x24xf32, #tpu.memory_space<vmem_shared>>
      tpu.wait_indirect_dma semaphore(%arg12 : memref<!tpu.dma_semaphore, #tpu.memory_space<semaphore_mem>>) src(%dma_wait3A_247 : memref<100x24xf32, #tpu.memory_space<vmem_shared>>) dst(%dma_wait3A_242 : memref<128x24xf32, #tpu.memory_space<vmem>>)
      %dma_wait3A_248 = arith.constant 512 : i32
      %dma_wait3A_249 = arith.constant 0 : i32
      %dma_wait3A_250 = tpu.memref_slice %arg10[%dma_wait3A_248, %dma_wait3A_249] : memref<3128x24xf32, #tpu.memory_space<vmem>> -> memref<128x24xf32, #tpu.memory_space<vmem>>
      %dma_wait3A_251 = arith.constant 512 : i32
      %dma_wait3A_252 = tpu.memref_slice %arg7[%dma_wait3A_251] : memref<3128xi32, #tpu.memory_space<vmem>> -> memref<128xi32, #tpu.memory_space<vmem>>
      %dma_wait3A_253 = arith.constant 0 : i32
      %dma_wait3A_254 = arith.constant 0 : i32
      %dma_wait3A_255 = tpu.memref_slice %arg11[%dma_wait3A_253, %dma_wait3A_254] : memref<100x24xf32, #tpu.memory_space<vmem_shared>> -> memref<100x24xf32, #tpu.memory_space<vmem_shared>>
      tpu.wait_indirect_dma semaphore(%arg12 : memref<!tpu.dma_semaphore, #tpu.memory_space<semaphore_mem>>) src(%dma_wait3A_255 : memref<100x24xf32, #tpu.memory_space<vmem_shared>>) dst(%dma_wait3A_250 : memref<128x24xf32, #tpu.memory_space<vmem>>)
      %dma_wait3A_256 = arith.constant 640 : i32
      %dma_wait3A_257 = arith.constant 0 : i32
      %dma_wait3A_258 = tpu.memref_slice %arg10[%dma_wait3A_256, %dma_wait3A_257] : memref<3128x24xf32, #tpu.memory_space<vmem>> -> memref<128x24xf32, #tpu.memory_space<vmem>>
      %dma_wait3A_259 = arith.constant 640 : i32
      %dma_wait3A_260 = tpu.memref_slice %arg7[%dma_wait3A_259] : memref<3128xi32, #tpu.memory_space<vmem>> -> memref<128xi32, #tpu.memory_space<vmem>>
      %dma_wait3A_261 = arith.constant 0 : i32
      %dma_wait3A_262 = arith.constant 0 : i32
      %dma_wait3A_263 = tpu.memref_slice %arg11[%dma_wait3A_261, %dma_wait3A_262] : memref<100x24xf32, #tpu.memory_space<vmem_shared>> -> memref<100x24xf32, #tpu.memory_space<vmem_shared>>
      tpu.wait_indirect_dma semaphore(%arg12 : memref<!tpu.dma_semaphore, #tpu.memory_space<semaphore_mem>>) src(%dma_wait3A_263 : memref<100x24xf32, #tpu.memory_space<vmem_shared>>) dst(%dma_wait3A_258 : memref<128x24xf32, #tpu.memory_space<vmem>>)
      %dma_wait3A_264 = arith.constant 768 : i32
      %dma_wait3A_265 = arith.constant 0 : i32
      %dma_wait3A_266 = tpu.memref_slice %arg10[%dma_wait3A_264, %dma_wait3A_265] : memref<3128x24xf32, #tpu.memory_space<vmem>> -> memref<128x24xf32, #tpu.memory_space<vmem>>
      %dma_wait3A_267 = arith.constant 768 : i32
      %dma_wait3A_268 = tpu.memref_slice %arg7[%dma_wait3A_267] : memref<3128xi32, #tpu.memory_space<vmem>> -> memref<128xi32, #tpu.memory_space<vmem>>
      %dma_wait3A_269 = arith.constant 0 : i32
      %dma_wait3A_270 = arith.constant 0 : i32
      %dma_wait3A_271 = tpu.memref_slice %arg11[%dma_wait3A_269, %dma_wait3A_270] : memref<100x24xf32, #tpu.memory_space<vmem_shared>> -> memref<100x24xf32, #tpu.memory_space<vmem_shared>>
      tpu.wait_indirect_dma semaphore(%arg12 : memref<!tpu.dma_semaphore, #tpu.memory_space<semaphore_mem>>) src(%dma_wait3A_271 : memref<100x24xf32, #tpu.memory_space<vmem_shared>>) dst(%dma_wait3A_266 : memref<128x24xf32, #tpu.memory_space<vmem>>)
      %dma_wait3A_272 = arith.constant 896 : i32
      %dma_wait3A_273 = arith.constant 0 : i32
      %dma_wait3A_274 = tpu.memref_slice %arg10[%dma_wait3A_272, %dma_wait3A_273] : memref<3128x24xf32, #tpu.memory_space<vmem>> -> memref<128x24xf32, #tpu.memory_space<vmem>>
      %dma_wait3A_275 = arith.constant 896 : i32
      %dma_wait3A_276 = tpu.memref_slice %arg7[%dma_wait3A_275] : memref<3128xi32, #tpu.memory_space<vmem>> -> memref<128xi32, #tpu.memory_space<vmem>>
      %dma_wait3A_277 = arith.constant 0 : i32
      %dma_wait3A_278 = arith.constant 0 : i32
      %dma_wait3A_279 = tpu.memref_slice %arg11[%dma_wait3A_277, %dma_wait3A_278] : memref<100x24xf32, #tpu.memory_space<vmem_shared>> -> memref<100x24xf32, #tpu.memory_space<vmem_shared>>
      tpu.wait_indirect_dma semaphore(%arg12 : memref<!tpu.dma_semaphore, #tpu.memory_space<semaphore_mem>>) src(%dma_wait3A_279 : memref<100x24xf32, #tpu.memory_space<vmem_shared>>) dst(%dma_wait3A_274 : memref<128x24xf32, #tpu.memory_space<vmem>>)
      %dma_wait3A_280 = arith.constant 1024 : i32
      %dma_wait3A_281 = arith.constant 0 : i32
      %dma_wait3A_282 = tpu.memref_slice %arg10[%dma_wait3A_280, %dma_wait3A_281] : memref<3128x24xf32, #tpu.memory_space<vmem>> -> memref<128x24xf32, #tpu.memory_space<vmem>>
      %dma_wait3A_283 = arith.constant 1024 : i32
      %dma_wait3A_284 = tpu.memref_slice %arg7[%dma_wait3A_283] : memref<3128xi32, #tpu.memory_space<vmem>> -> memref<128xi32, #tpu.memory_space<vmem>>
      %dma_wait3A_285 = arith.constant 0 : i32
      %dma_wait3A_286 = arith.constant 0 : i32
      %dma_wait3A_287 = tpu.memref_slice %arg11[%dma_wait3A_285, %dma_wait3A_286] : memref<100x24xf32, #tpu.memory_space<vmem_shared>> -> memref<100x24xf32, #tpu.memory_space<vmem_shared>>
      tpu.wait_indirect_dma semaphore(%arg12 : memref<!tpu.dma_semaphore, #tpu.memory_space<semaphore_mem>>) src(%dma_wait3A_287 : memref<100x24xf32, #tpu.memory_space<vmem_shared>>) dst(%dma_wait3A_282 : memref<128x24xf32, #tpu.memory_space<vmem>>)
      %dma_wait3A_288 = arith.constant 1152 : i32
      %dma_wait3A_289 = arith.constant 0 : i32
      %dma_wait3A_290 = tpu.memref_slice %arg10[%dma_wait3A_288, %dma_wait3A_289] : memref<3128x24xf32, #tpu.memory_space<vmem>> -> memref<128x24xf32, #tpu.memory_space<vmem>>
      %dma_wait3A_291 = arith.constant 1152 : i32
      %dma_wait3A_292 = tpu.memref_slice %arg7[%dma_wait3A_291] : memref<3128xi32, #tpu.memory_space<vmem>> -> memref<128xi32, #tpu.memory_space<vmem>>
      %dma_wait3A_293 = arith.constant 0 : i32
      %dma_wait3A_294 = arith.constant 0 : i32
      %dma_wait3A_295 = tpu.memref_slice %arg11[%dma_wait3A_293, %dma_wait3A_294] : memref<100x24xf32, #tpu.memory_space<vmem_shared>> -> memref<100x24xf32, #tpu.memory_space<vmem_shared>>
      tpu.wait_indirect_dma semaphore(%arg12 : memref<!tpu.dma_semaphore, #tpu.memory_space<semaphore_mem>>) src(%dma_wait3A_295 : memref<100x24xf32, #tpu.memory_space<vmem_shared>>) dst(%dma_wait3A_290 : memref<128x24xf32, #tpu.memory_space<vmem>>)
      %dma_wait3A_296 = arith.constant 1280 : i32
      %dma_wait3A_297 = arith.constant 0 : i32
      %dma_wait3A_298 = tpu.memref_slice %arg10[%dma_wait3A_296, %dma_wait3A_297] : memref<3128x24xf32, #tpu.memory_space<vmem>> -> memref<128x24xf32, #tpu.memory_space<vmem>>
      %dma_wait3A_299 = arith.constant 1280 : i32
      %dma_wait3A_300 = tpu.memref_slice %arg7[%dma_wait3A_299] : memref<3128xi32, #tpu.memory_space<vmem>> -> memref<128xi32, #tpu.memory_space<vmem>>
      %dma_wait3A_301 = arith.constant 0 : i32
      %dma_wait3A_302 = arith.constant 0 : i32
      %dma_wait3A_303 = tpu.memref_slice %arg11[%dma_wait3A_301, %dma_wait3A_302] : memref<100x24xf32, #tpu.memory_space<vmem_shared>> -> memref<100x24xf32, #tpu.memory_space<vmem_shared>>
      tpu.wait_indirect_dma semaphore(%arg12 : memref<!tpu.dma_semaphore, #tpu.memory_space<semaphore_mem>>) src(%dma_wait3A_303 : memref<100x24xf32, #tpu.memory_space<vmem_shared>>) dst(%dma_wait3A_298 : memref<128x24xf32, #tpu.memory_space<vmem>>)
      %dma_wait3A_304 = arith.constant 1408 : i32
      %dma_wait3A_305 = arith.constant 0 : i32
      %dma_wait3A_306 = tpu.memref_slice %arg10[%dma_wait3A_304, %dma_wait3A_305] : memref<3128x24xf32, #tpu.memory_space<vmem>> -> memref<128x24xf32, #tpu.memory_space<vmem>>
      %dma_wait3A_307 = arith.constant 1408 : i32
      %dma_wait3A_308 = tpu.memref_slice %arg7[%dma_wait3A_307] : memref<3128xi32, #tpu.memory_space<vmem>> -> memref<128xi32, #tpu.memory_space<vmem>>
      %dma_wait3A_309 = arith.constant 0 : i32
      %dma_wait3A_310 = arith.constant 0 : i32
      %dma_wait3A_311 = tpu.memref_slice %arg11[%dma_wait3A_309, %dma_wait3A_310] : memref<100x24xf32, #tpu.memory_space<vmem_shared>> -> memref<100x24xf32, #tpu.memory_space<vmem_shared>>
      tpu.wait_indirect_dma semaphore(%arg12 : memref<!tpu.dma_semaphore, #tpu.memory_space<semaphore_mem>>) src(%dma_wait3A_311 : memref<100x24xf32, #tpu.memory_space<vmem_shared>>) dst(%dma_wait3A_306 : memref<128x24xf32, #tpu.memory_space<vmem>>)
      %dma_wait3A_312 = arith.constant 1536 : i32
      %dma_wait3A_313 = arith.constant 0 : i32
      %dma_wait3A_314 = tpu.memref_slice %arg10[%dma_wait3A_312, %dma_wait3A_313] : memref<3128x24xf32, #tpu.memory_space<vmem>> -> memref<128x24xf32, #tpu.memory_space<vmem>>
      %dma_wait3A_315 = arith.constant 1536 : i32
      %dma_wait3A_316 = tpu.memref_slice %arg7[%dma_wait3A_315] : memref<3128xi32, #tpu.memory_space<vmem>> -> memref<128xi32, #tpu.memory_space<vmem>>
      %dma_wait3A_317 = arith.constant 0 : i32
      %dma_wait3A_318 = arith.constant 0 : i32
      %dma_wait3A_319 = tpu.memref_slice %arg11[%dma_wait3A_317, %dma_wait3A_318] : memref<100x24xf32, #tpu.memory_space<vmem_shared>> -> memref<100x24xf32, #tpu.memory_space<vmem_shared>>
      tpu.wait_indirect_dma semaphore(%arg12 : memref<!tpu.dma_semaphore, #tpu.memory_space<semaphore_mem>>) src(%dma_wait3A_319 : memref<100x24xf32, #tpu.memory_space<vmem_shared>>) dst(%dma_wait3A_314 : memref<128x24xf32, #tpu.memory_space<vmem>>)
      %dma_wait3A_320 = arith.constant 1664 : i32
      %dma_wait3A_321 = arith.constant 0 : i32
      %dma_wait3A_322 = tpu.memref_slice %arg10[%dma_wait3A_320, %dma_wait3A_321] : memref<3128x24xf32, #tpu.memory_space<vmem>> -> memref<128x24xf32, #tpu.memory_space<vmem>>
      %dma_wait3A_323 = arith.constant 1664 : i32
      %dma_wait3A_324 = tpu.memref_slice %arg7[%dma_wait3A_323] : memref<3128xi32, #tpu.memory_space<vmem>> -> memref<128xi32, #tpu.memory_space<vmem>>
      %dma_wait3A_325 = arith.constant 0 : i32
      %dma_wait3A_326 = arith.constant 0 : i32
      %dma_wait3A_327 = tpu.memref_slice %arg11[%dma_wait3A_325, %dma_wait3A_326] : memref<100x24xf32, #tpu.memory_space<vmem_shared>> -> memref<100x24xf32, #tpu.memory_space<vmem_shared>>
      tpu.wait_indirect_dma semaphore(%arg12 : memref<!tpu.dma_semaphore, #tpu.memory_space<semaphore_mem>>) src(%dma_wait3A_327 : memref<100x24xf32, #tpu.memory_space<vmem_shared>>) dst(%dma_wait3A_322 : memref<128x24xf32, #tpu.memory_space<vmem>>)
      %dma_wait3A_328 = arith.constant 1792 : i32
      %dma_wait3A_329 = arith.constant 0 : i32
      %dma_wait3A_330 = tpu.memref_slice %arg10[%dma_wait3A_328, %dma_wait3A_329] : memref<3128x24xf32, #tpu.memory_space<vmem>> -> memref<128x24xf32, #tpu.memory_space<vmem>>
      %dma_wait3A_331 = arith.constant 1792 : i32
      %dma_wait3A_332 = tpu.memref_slice %arg7[%dma_wait3A_331] : memref<3128xi32, #tpu.memory_space<vmem>> -> memref<128xi32, #tpu.memory_space<vmem>>
      %dma_wait3A_333 = arith.constant 0 : i32
      %dma_wait3A_334 = arith.constant 0 : i32
      %dma_wait3A_335 = tpu.memref_slice %arg11[%dma_wait3A_333, %dma_wait3A_334] : memref<100x24xf32, #tpu.memory_space<vmem_shared>> -> memref<100x24xf32, #tpu.memory_space<vmem_shared>>
      tpu.wait_indirect_dma semaphore(%arg12 : memref<!tpu.dma_semaphore, #tpu.memory_space<semaphore_mem>>) src(%dma_wait3A_335 : memref<100x24xf32, #tpu.memory_space<vmem_shared>>) dst(%dma_wait3A_330 : memref<128x24xf32, #tpu.memory_space<vmem>>)
      %dma_wait3A_336 = arith.constant 1920 : i32
      %dma_wait3A_337 = arith.constant 0 : i32
      %dma_wait3A_338 = tpu.memref_slice %arg10[%dma_wait3A_336, %dma_wait3A_337] : memref<3128x24xf32, #tpu.memory_space<vmem>> -> memref<128x24xf32, #tpu.memory_space<vmem>>
      %dma_wait3A_339 = arith.constant 1920 : i32
      %dma_wait3A_340 = tpu.memref_slice %arg7[%dma_wait3A_339] : memref<3128xi32, #tpu.memory_space<vmem>> -> memref<128xi32, #tpu.memory_space<vmem>>
      %dma_wait3A_341 = arith.constant 0 : i32
      %dma_wait3A_342 = arith.constant 0 : i32
      %dma_wait3A_343 = tpu.memref_slice %arg11[%dma_wait3A_341, %dma_wait3A_342] : memref<100x24xf32, #tpu.memory_space<vmem_shared>> -> memref<100x24xf32, #tpu.memory_space<vmem_shared>>
      tpu.wait_indirect_dma semaphore(%arg12 : memref<!tpu.dma_semaphore, #tpu.memory_space<semaphore_mem>>) src(%dma_wait3A_343 : memref<100x24xf32, #tpu.memory_space<vmem_shared>>) dst(%dma_wait3A_338 : memref<128x24xf32, #tpu.memory_space<vmem>>)
      %dma_wait3A_344 = arith.constant 2048 : i32
      %dma_wait3A_345 = arith.constant 0 : i32
      %dma_wait3A_346 = tpu.memref_slice %arg10[%dma_wait3A_344, %dma_wait3A_345] : memref<3128x24xf32, #tpu.memory_space<vmem>> -> memref<128x24xf32, #tpu.memory_space<vmem>>
      %dma_wait3A_347 = arith.constant 2048 : i32
      %dma_wait3A_348 = tpu.memref_slice %arg7[%dma_wait3A_347] : memref<3128xi32, #tpu.memory_space<vmem>> -> memref<128xi32, #tpu.memory_space<vmem>>
      %dma_wait3A_349 = arith.constant 0 : i32
      %dma_wait3A_350 = arith.constant 0 : i32
      %dma_wait3A_351 = tpu.memref_slice %arg11[%dma_wait3A_349, %dma_wait3A_350] : memref<100x24xf32, #tpu.memory_space<vmem_shared>> -> memref<100x24xf32, #tpu.memory_space<vmem_shared>>
      tpu.wait_indirect_dma semaphore(%arg12 : memref<!tpu.dma_semaphore, #tpu.memory_space<semaphore_mem>>) src(%dma_wait3A_351 : memref<100x24xf32, #tpu.memory_space<vmem_shared>>) dst(%dma_wait3A_346 : memref<128x24xf32, #tpu.memory_space<vmem>>)
      %dma_wait3A_352 = arith.constant 2176 : i32
      %dma_wait3A_353 = arith.constant 0 : i32
      %dma_wait3A_354 = tpu.memref_slice %arg10[%dma_wait3A_352, %dma_wait3A_353] : memref<3128x24xf32, #tpu.memory_space<vmem>> -> memref<128x24xf32, #tpu.memory_space<vmem>>
      %dma_wait3A_355 = arith.constant 2176 : i32
      %dma_wait3A_356 = tpu.memref_slice %arg7[%dma_wait3A_355] : memref<3128xi32, #tpu.memory_space<vmem>> -> memref<128xi32, #tpu.memory_space<vmem>>
      %dma_wait3A_357 = arith.constant 0 : i32
      %dma_wait3A_358 = arith.constant 0 : i32
      %dma_wait3A_359 = tpu.memref_slice %arg11[%dma_wait3A_357, %dma_wait3A_358] : memref<100x24xf32, #tpu.memory_space<vmem_shared>> -> memref<100x24xf32, #tpu.memory_space<vmem_shared>>
      tpu.wait_indirect_dma semaphore(%arg12 : memref<!tpu.dma_semaphore, #tpu.memory_space<semaphore_mem>>) src(%dma_wait3A_359 : memref<100x24xf32, #tpu.memory_space<vmem_shared>>) dst(%dma_wait3A_354 : memref<128x24xf32, #tpu.memory_space<vmem>>)
      %dma_wait3A_360 = arith.constant 2304 : i32
      %dma_wait3A_361 = arith.constant 0 : i32
      %dma_wait3A_362 = tpu.memref_slice %arg10[%dma_wait3A_360, %dma_wait3A_361] : memref<3128x24xf32, #tpu.memory_space<vmem>> -> memref<128x24xf32, #tpu.memory_space<vmem>>
      %dma_wait3A_363 = arith.constant 2304 : i32
      %dma_wait3A_364 = tpu.memref_slice %arg7[%dma_wait3A_363] : memref<3128xi32, #tpu.memory_space<vmem>> -> memref<128xi32, #tpu.memory_space<vmem>>
      %dma_wait3A_365 = arith.constant 0 : i32
      %dma_wait3A_366 = arith.constant 0 : i32
      %dma_wait3A_367 = tpu.memref_slice %arg11[%dma_wait3A_365, %dma_wait3A_366] : memref<100x24xf32, #tpu.memory_space<vmem_shared>> -> memref<100x24xf32, #tpu.memory_space<vmem_shared>>
      tpu.wait_indirect_dma semaphore(%arg12 : memref<!tpu.dma_semaphore, #tpu.memory_space<semaphore_mem>>) src(%dma_wait3A_367 : memref<100x24xf32, #tpu.memory_space<vmem_shared>>) dst(%dma_wait3A_362 : memref<128x24xf32, #tpu.memory_space<vmem>>)
      %dma_wait3A_368 = arith.constant 2432 : i32
      %dma_wait3A_369 = arith.constant 0 : i32
      %dma_wait3A_370 = tpu.memref_slice %arg10[%dma_wait3A_368, %dma_wait3A_369] : memref<3128x24xf32, #tpu.memory_space<vmem>> -> memref<128x24xf32, #tpu.memory_space<vmem>>
      %dma_wait3A_371 = arith.constant 2432 : i32
      %dma_wait3A_372 = tpu.memref_slice %arg7[%dma_wait3A_371] : memref<3128xi32, #tpu.memory_space<vmem>> -> memref<128xi32, #tpu.memory_space<vmem>>
      %dma_wait3A_373 = arith.constant 0 : i32
      %dma_wait3A_374 = arith.constant 0 : i32
      %dma_wait3A_375 = tpu.memref_slice %arg11[%dma_wait3A_373, %dma_wait3A_374] : memref<100x24xf32, #tpu.memory_space<vmem_shared>> -> memref<100x24xf32, #tpu.memory_space<vmem_shared>>
      tpu.wait_indirect_dma semaphore(%arg12 : memref<!tpu.dma_semaphore, #tpu.memory_space<semaphore_mem>>) src(%dma_wait3A_375 : memref<100x24xf32, #tpu.memory_space<vmem_shared>>) dst(%dma_wait3A_370 : memref<128x24xf32, #tpu.memory_space<vmem>>)
      %dma_wait3A_376 = arith.constant 2560 : i32
      %dma_wait3A_377 = arith.constant 0 : i32
      %dma_wait3A_378 = tpu.memref_slice %arg10[%dma_wait3A_376, %dma_wait3A_377] : memref<3128x24xf32, #tpu.memory_space<vmem>> -> memref<128x24xf32, #tpu.memory_space<vmem>>
      %dma_wait3A_379 = arith.constant 2560 : i32
      %dma_wait3A_380 = tpu.memref_slice %arg7[%dma_wait3A_379] : memref<3128xi32, #tpu.memory_space<vmem>> -> memref<128xi32, #tpu.memory_space<vmem>>
      %dma_wait3A_381 = arith.constant 0 : i32
      %dma_wait3A_382 = arith.constant 0 : i32
      %dma_wait3A_383 = tpu.memref_slice %arg11[%dma_wait3A_381, %dma_wait3A_382] : memref<100x24xf32, #tpu.memory_space<vmem_shared>> -> memref<100x24xf32, #tpu.memory_space<vmem_shared>>
      tpu.wait_indirect_dma semaphore(%arg12 : memref<!tpu.dma_semaphore, #tpu.memory_space<semaphore_mem>>) src(%dma_wait3A_383 : memref<100x24xf32, #tpu.memory_space<vmem_shared>>) dst(%dma_wait3A_378 : memref<128x24xf32, #tpu.memory_space<vmem>>)
      %dma_wait3A_384 = arith.constant 2688 : i32
      %dma_wait3A_385 = arith.constant 0 : i32
      %dma_wait3A_386 = tpu.memref_slice %arg10[%dma_wait3A_384, %dma_wait3A_385] : memref<3128x24xf32, #tpu.memory_space<vmem>> -> memref<128x24xf32, #tpu.memory_space<vmem>>
      %dma_wait3A_387 = arith.constant 2688 : i32
      %dma_wait3A_388 = tpu.memref_slice %arg7[%dma_wait3A_387] : memref<3128xi32, #tpu.memory_space<vmem>> -> memref<128xi32, #tpu.memory_space<vmem>>
      %dma_wait3A_389 = arith.constant 0 : i32
      %dma_wait3A_390 = arith.constant 0 : i32
      %dma_wait3A_391 = tpu.memref_slice %arg11[%dma_wait3A_389, %dma_wait3A_390] : memref<100x24xf32, #tpu.memory_space<vmem_shared>> -> memref<100x24xf32, #tpu.memory_space<vmem_shared>>
      tpu.wait_indirect_dma semaphore(%arg12 : memref<!tpu.dma_semaphore, #tpu.memory_space<semaphore_mem>>) src(%dma_wait3A_391 : memref<100x24xf32, #tpu.memory_space<vmem_shared>>) dst(%dma_wait3A_386 : memref<128x24xf32, #tpu.memory_space<vmem>>)
      %dma_wait3A_392 = arith.constant 2816 : i32
      %dma_wait3A_393 = arith.constant 0 : i32
      %dma_wait3A_394 = tpu.memref_slice %arg10[%dma_wait3A_392, %dma_wait3A_393] : memref<3128x24xf32, #tpu.memory_space<vmem>> -> memref<128x24xf32, #tpu.memory_space<vmem>>
      %dma_wait3A_395 = arith.constant 2816 : i32
      %dma_wait3A_396 = tpu.memref_slice %arg7[%dma_wait3A_395] : memref<3128xi32, #tpu.memory_space<vmem>> -> memref<128xi32, #tpu.memory_space<vmem>>
      %dma_wait3A_397 = arith.constant 0 : i32
      %dma_wait3A_398 = arith.constant 0 : i32
      %dma_wait3A_399 = tpu.memref_slice %arg11[%dma_wait3A_397, %dma_wait3A_398] : memref<100x24xf32, #tpu.memory_space<vmem_shared>> -> memref<100x24xf32, #tpu.memory_space<vmem_shared>>
      tpu.wait_indirect_dma semaphore(%arg12 : memref<!tpu.dma_semaphore, #tpu.memory_space<semaphore_mem>>) src(%dma_wait3A_399 : memref<100x24xf32, #tpu.memory_space<vmem_shared>>) dst(%dma_wait3A_394 : memref<128x24xf32, #tpu.memory_space<vmem>>)
      %dma_wait3A_400 = arith.constant 2944 : i32
      %dma_wait3A_401 = arith.constant 0 : i32
      %dma_wait3A_402 = tpu.memref_slice %arg10[%dma_wait3A_400, %dma_wait3A_401] : memref<3128x24xf32, #tpu.memory_space<vmem>> -> memref<128x24xf32, #tpu.memory_space<vmem>>
      %dma_wait3A_403 = arith.constant 2944 : i32
      %dma_wait3A_404 = tpu.memref_slice %arg7[%dma_wait3A_403] : memref<3128xi32, #tpu.memory_space<vmem>> -> memref<128xi32, #tpu.memory_space<vmem>>
      %dma_wait3A_405 = arith.constant 0 : i32
      %dma_wait3A_406 = arith.constant 0 : i32
      %dma_wait3A_407 = tpu.memref_slice %arg11[%dma_wait3A_405, %dma_wait3A_406] : memref<100x24xf32, #tpu.memory_space<vmem_shared>> -> memref<100x24xf32, #tpu.memory_space<vmem_shared>>
      tpu.wait_indirect_dma semaphore(%arg12 : memref<!tpu.dma_semaphore, #tpu.memory_space<semaphore_mem>>) src(%dma_wait3A_407 : memref<100x24xf32, #tpu.memory_space<vmem_shared>>) dst(%dma_wait3A_402 : memref<128x24xf32, #tpu.memory_space<vmem>>)
      %dma_wait3A_408 = arith.constant 3072 : i32
      %dma_wait3A_409 = arith.constant 0 : i32
      %dma_wait3A_410 = tpu.memref_slice %arg10[%dma_wait3A_408, %dma_wait3A_409] : memref<3128x24xf32, #tpu.memory_space<vmem>> -> memref<48x24xf32, #tpu.memory_space<vmem>>
      %dma_wait3A_411 = arith.constant 3072 : i32
      %dma_wait3A_412 = tpu.memref_slice %arg7[%dma_wait3A_411] : memref<3128xi32, #tpu.memory_space<vmem>> -> memref<48xi32, #tpu.memory_space<vmem>>
      %dma_wait3A_413 = arith.constant 0 : i32
      %dma_wait3A_414 = arith.constant 0 : i32
      %dma_wait3A_415 = tpu.memref_slice %arg11[%dma_wait3A_413, %dma_wait3A_414] : memref<100x24xf32, #tpu.memory_space<vmem_shared>> -> memref<100x24xf32, #tpu.memory_space<vmem_shared>>
      tpu.wait_indirect_dma semaphore(%arg12 : memref<!tpu.dma_semaphore, #tpu.memory_space<semaphore_mem>>) src(%dma_wait3A_415 : memref<100x24xf32, #tpu.memory_space<vmem_shared>>) dst(%dma_wait3A_410 : memref<48x24xf32, #tpu.memory_space<vmem>>)
      %iota3A = tpu.iota {dimensions = array<i32: 0>} : vector<16xi32>
      %shift_right_arithmetic3A = arith.constant 2 : i32
      %shift_right_arithmetic3A_416 = vector.broadcast %shift_right_arithmetic3A : i32 to vector<16xi32>
      %shift_right_arithmetic3A_417 = arith.shrsi %iota3A, %shift_right_arithmetic3A_416 : vector<16xi32>
      %and3A = arith.constant 3 : i32
      %and3A_418 = vector.broadcast %and3A : i32 to vector<16xi32>
      %and3A_419 = arith.andi %iota3A, %and3A_418 : vector<16xi32>
      %add3A_420 = arith.constant 16 : i32
      %add3A_421 = vector.broadcast %add3A_420 : i32 to vector<16xi32>
      %add3A_422 = arith.addi %and3A_419, %add3A_421 : vector<16xi32>
      %scan3A = arith.constant 0 : i32
      %scan3A_423 = arith.constant 0 : i32
      %scan3A_424 = arith.constant 780 : i32
      %scan3A_425 = arith.addi %scan3A_423, %scan3A_424 : i32
      %scan3A_426 = arith.constant 1 : i32
      scf.for %scan3A_428 = %scan3A_423 to %scan3A_425 step %scan3A_426  : i32 {
        %mul3A_429 = arith.constant 4 : i32
        %mul3A_430 = arith.muli %scan3A_428, %mul3A_429 : i32
        %add3A_431 = vector.broadcast %mul3A_430 : i32 to vector<16xi32>
        %add3A_432 = arith.addi %shift_right_arithmetic3A_417, %add3A_431 : vector<16xi32>
        %gather3A = tpu.vector_load_idx %arg8[%add3A_432] : memref<3128xi32, #tpu.memory_space<vmem>>[vector<16xi32>], vector<16xi32>,
        %mul3A_433 = arith.constant 16 : i32
        %mul3A_434 = arith.muli %scan3A_428, %mul3A_433 : i32
        %get3A = arith.index_cast %mul3A_434 : i32 to index
        %get3A_435 = tpu.vector_load %arg9[%get3A] {strides = array<i32>} : memref<12512xf32, #tpu.memory_space<vmem>>, vector<16xf32>,
        %eq3A_436 = arith.constant 1 : i32
        %eq3A_437 = vector.broadcast %eq3A_436 : i32 to vector<16xi32>
        %eq3A_438 = arith.cmpi eq, %gather3A, %eq3A_437 : vector<16xi32>
        tpu.vector_store_idx %arg10[%add3A_432, %add3A_422], %get3A_435 masked %eq3A_438 : memref<3128x24xf32, #tpu.memory_space<vmem>>[vector<16xi32>, vector<16xi32>], vector<16xf32>, vector<16xi1>
      }
      %scan3A_427 = arith.constant 780 : i32
      "tpu.region"() ({
        %run_scoped3A = tpu.sem_alloc : memref<!tpu.dma_semaphore, #tpu.memory_space<semaphore_mem>>
        %dma_start3A_428 = arith.constant 0 : i32
        %dma_start3A_429 = arith.constant 0 : i32
        %dma_start3A_430 = tpu.memref_slice %arg10[%dma_start3A_428, %dma_start3A_429] : memref<3128x24xf32, #tpu.memory_space<vmem>> -> memref<3120x24xf32, #tpu.memory_space<vmem>>
        %dma_start3A_431 = arith.constant 0 : i32
        %dma_start3A_432 = tpu.memref_slice %arg6[%add3A_15, %dma_start3A_431] : memref<100000x24xf32, #tpu.memory_space<hbm>> -> memref<3120x24xf32, #tpu.memory_space<hbm>>
        %dma_start3A_433 = arith.constant 0 : i32
        %dma_start3A_434 = tpu.memref_slice %arg6[%add3A_15, %dma_start3A_433] : memref<100000x24xf32, #tpu.memory_space<hbm>> -> memref<3120x24xf32, #tpu.memory_space<hbm>>
        %dma_start3A_435 = arith.constant 0 : i32
        %dma_start3A_436 = arith.constant 0 : i32
        %dma_start3A_437 = tpu.memref_slice %arg10[%dma_start3A_435, %dma_start3A_436] : memref<3128x24xf32, #tpu.memory_space<vmem>> -> memref<3120x24xf32, #tpu.memory_space<vmem>>
        tpu.enqueue_dma source(%dma_start3A_437 : memref<3120x24xf32, #tpu.memory_space<vmem>>) target(%dma_start3A_434 : memref<3120x24xf32, #tpu.memory_space<hbm>>) target_semaphore(%run_scoped3A : memref<!tpu.dma_semaphore, #tpu.memory_space<semaphore_mem>>)
        %dma_wait3A_438 = arith.constant 0 : i32
        %dma_wait3A_439 = arith.constant 0 : i32
        %dma_wait3A_440 = tpu.memref_slice %arg10[%dma_wait3A_438, %dma_wait3A_439] : memref<3128x24xf32, #tpu.memory_space<vmem>> -> memref<3120x24xf32, #tpu.memory_space<vmem>>
        %dma_wait3A_441 = arith.constant 0 : i32
        %dma_wait3A_442 = tpu.memref_slice %arg6[%add3A_15, %dma_wait3A_441] : memref<100000x24xf32, #tpu.memory_space<hbm>> -> memref<3120x24xf32, #tpu.memory_space<hbm>>
        %dma_wait3A_443 = arith.constant 0 : i32
        %dma_wait3A_444 = tpu.memref_slice %arg6[%add3A_15, %dma_wait3A_443] : memref<100000x24xf32, #tpu.memory_space<hbm>> -> memref<3120x24xf32, #tpu.memory_space<hbm>>
        %dma_wait3A_445 = arith.constant 0 : i32
        %dma_wait3A_446 = arith.constant 0 : i32
        %dma_wait3A_447 = tpu.memref_slice %arg10[%dma_wait3A_445, %dma_wait3A_446] : memref<3128x24xf32, #tpu.memory_space<vmem>> -> memref<3120x24xf32, #tpu.memory_space<vmem>>
        tpu.wait_dma2 semaphore(%run_scoped3A : memref<!tpu.dma_semaphore, #tpu.memory_space<semaphore_mem>>) src(%dma_wait3A_447 : memref<3120x24xf32, #tpu.memory_space<vmem>>) dst(%dma_wait3A_444 : memref<3120x24xf32, #tpu.memory_space<hbm>>)
        tpu.yield
      }) : () -> ()
    } else {
    }
    return
  }
}

</mosaic_0001>

<sc_bundles>
// kernel: kernel.3.cloned.1.call-start
scs
__scs_entry_jumppad:
0x0: {  	(pc) =	sbr.rel $0x88, $3  }
0x1: {  	(tag) =	ssettag $0x0;
	lr =	simm.s32 $0x1  }
0x2: {  	[smem:$0x3F9D] =	sst lr;
	_ =	strace $0xD0000000  }
0x3: {  	_ = 	snop  }
0x4: {  	_ = 	snop  }
0x5: {  	_ = 	snop  }
0x6: {  	_ = 	snop  }
0x7: {  	_ = 	snop  }
__scs_overlays_trampoline_lowered:
0x8: {  	[smem:$0x3FAC] =	sst s0  }
0x9: {  	[smem:$0x3FAD] =	sst s1  }
0xa: {  	[smem:$0x3FAE] =	sst s2  }
0xb: {  	[smem:$0x3FAF] =	sst s3  }
0xc: {  	[smem:$0x3FB0] =	sst s4  }
0xd: {  	[smem:$0x3FB1] =	sst s5  }
0xe: {  	[smem:$0x3FB2] =	sst s6  }
0xf: {  	[smem:$0x3FB3] =	sst s7  }
0x10: {  	[smem:$0x3FB4] =	sst s8  }
0x11: {  	[smem:$0x3FB5] =	sst s9;
	s0 =	simm.s32 @!p0 $0x0  }
0x12: {  	s1 =	sld [smem:$0x3F9B];
	s0 =	simm.s32 @p0 $0x1  }
0x13: {  	[smem:$0x3FB6] =	sst s0;
	s0 =	simm.s32 @!p1 $0x0  }
0x14: {  	s2 =	sld [smem:$0x3F9A];
	s0 =	simm.s32 @p1 $0x1  }
0x15: {  	[smem:$0x3FB7] =	sst s0;
	s0 =	simm.s32 @!p2 $0x0  }
0x16: {  	s3 =	sld [smem:$0x3FDB];
	s0 =	simm.s32 @p2 $0x1  }
0x17: {  	s4 =	simm.s32 $0x1BF5;
	[smem:$0x3FB9] =	sst s0  }
0x18: {  	s0 =	sld [smem:$0x3F9C];
	_ =	swait.ge [sflag:s4], $0x0  }
0x19: {  	s7 =	sld [smem:$0x3F9D]  }
0x1a: {  	s8 =	sadd.s32 $0xFFFFE003, lr  }
0x1b: {  	s9 =	sadd.s32 $0xFFFFFEF7, lr;
	s5 =	simm.s32 $0xFFFFFFFF;
	p2 =	slt.u32 s8, $0xFFFFF086  }
0x1c: {  	p1 =	slt.u32 s9, $0xF7A;
	s5 =	simm.s32 @!p2 $0x0  }
0x1d: {  	s5 =	simm.s32 @p1 $0x1;
	p0 =	seq.s32 s7, s2  }
0x1e: {  	s7 =	smul.u32 @!p0 $0xF7A, s2;
	p2 =	seq.s32 @!p0 s5, $0x0  }
0x1f: {  	s9 =	smul.u32 $0xF7A, s1;
	s8 =	simm.s32 @!p0 $0x1BF5;
	p2 =	por !p2, p0  }
0x20: {  	[sflag:s8] =	ssyncset.s32 @!p0 $0xFFFFF086;
	s6 =	sadd.s32 @!p0 s3, s7;
	s7 =	simm.s32 @!p0 $0x108  }
0x21: {  	s3 =	sadd.s32 s3, s9;
	s6 =	sadd.s32 @!p0 $0x88, s6;
	s7 =	simm.s32 @p2 $0x1082  }
0x22: {  	[simem:s7], [sflag:s8] =	dma.local @!p0 [hbm:s6], $0xF7A  }
0x23: {  	s9 =	sor.u32 $0xD0000000, s2;
	s6 =	simm.s32 $0x108;
	_ =	swait.ge @!p0 [sflag:s8], $0x0  }
0x24: {  	s3 =	sadd.s32 $0x88, s3;
	s6 =	simm.s32 @!p1 $0x1082;
	[sflag:s4] =	ssyncset.s32 $0xFFFFF086  }
0x25: {  	[simem:s6], [sflag:s4] =	dma.local [hbm:s3], $0xF7A  }
0x26: {  	[smem:$0x3F9D] =	sst s1;
	(tag) =	ssettag s2;
	_ =	strace s9  }
0x27: {  	s1 =	sld [smem:$0x3FAD]  }
0x28: {  	s2 =	sld [smem:$0x3FAE]  }
0x29: {  	s4 =	sld [smem:$0x3FB0]  }
0x2a: {  	p0 =	seq.s32 s5, $0x0;
	s5 =	sld [smem:$0x3FB1]  }
0x2b: {  	s6 =	sld [smem:$0x3FB2]  }
0x2c: {  	s7 =	sld [smem:$0x3FB3]  }
0x2d: {  	s3 =	simm.s32 $0x108;
	s8 =	sld [smem:$0x3FB4]  }
0x2e: {  	s3 =	simm.s32 @!p0 $0x1082;
	s9 =	sld [smem:$0x3FB5]  }
0x2f: {  	lr =	sadd.s32 s0, s3;
	s0 =	sld [smem:$0x3FAC]  }
0x30: {  	s3 =	sld [smem:$0x3FAF]  }
0x31: {  	[smem:$0x3FB8] =	sst s10  }
0x32: {  	s10 =	sld [smem:$0x3FB6];
	_ =	sdelay $0x3  }
0x33: {  	p0 =	seq.s32 s10, $0x1;
	s10 =	sld [smem:$0x3FB8];
	_ =	sdelay $0x3  }
0x34: {  	[smem:$0x3FB8] =	sst s10  }
0x35: {  	s10 =	sld [smem:$0x3FB7];
	_ =	sdelay $0x3  }
0x36: {  	p1 =	seq.s32 s10, $0x1;
	s10 =	sld [smem:$0x3FB8];
	_ =	sdelay $0x3  }
0x37: {  	[smem:$0x3FB8] =	sst s10  }
0x38: {  	s10 =	sld [smem:$0x3FB9]  }
0x39: {  	_ = 	snop;
	(pc) =	sbr.ind lr, $3  }
0x3a: {  	_ = 	snop  }
0x3b: {  	_ = 	snop  }
0x3c: {  	p2 =	seq.s32 s10, $0x1;
	s10 =	sld [smem:$0x3FB8]  }
0x3d: {  	_ =	shalt  }
0x3e: {  	_ =	shalt  }
0x3f: {  	_ =	shalt  }
0x40: {  	_ =	shalt  }
0x41: {  	_ =	shalt  }
0x42: {  	_ =	shalt  }
0x43: {  	_ =	shalt  }
0x44: {  	_ =	shalt  }
0x45: {  	_ =	shalt  }
0x46: {  	_ =	shalt  }
0x47: {  	_ =	shalt  }
0x48: {  	_ =	shalt  }
0x49: {  	_ =	shalt  }
0x4a: {  	_ =	shalt  }
0x4b: {  	_ =	shalt  }
0x4c: {  	_ =	shalt  }
0x4d: {  	_ =	shalt  }
0x4e: {  	_ =	shalt  }
0x4f: {  	_ =	shalt  }
0x50: {  	_ =	shalt  }
0x51: {  	_ =	shalt  }
0x52: {  	_ =	shalt  }
0x53: {  	_ =	shalt  }
0x54: {  	_ =	shalt  }
0x55: {  	_ =	shalt  }
0x56: {  	_ =	shalt  }
0x57: {  	_ =	shalt  }
0x58: {  	_ =	shalt  }
0x59: {  	_ =	shalt  }
0x5a: {  	_ =	shalt  }
0x5b: {  	_ =	shalt  }
0x5c: {  	_ =	shalt  }
0x5d: {  	_ =	shalt  }
0x5e: {  	_ =	shalt  }
0x5f: {  	_ =	shalt  }
0x60: {  	_ =	shalt  }
0x61: {  	_ =	shalt  }
0x62: {  	_ =	shalt  }
0x63: {  	_ =	shalt  }
0x64: {  	_ =	shalt  }
0x65: {  	_ =	shalt  }
0x66: {  	_ =	shalt  }
0x67: {  	_ =	shalt  }
0x68: {  	_ =	shalt  }
0x69: {  	_ =	shalt  }
0x6a: {  	_ =	shalt  }
0x6b: {  	_ =	shalt  }
0x6c: {  	_ =	shalt  }
0x6d: {  	_ =	shalt  }
0x6e: {  	_ =	shalt  }
0x6f: {  	_ =	shalt  }
0x70: {  	_ =	shalt  }
0x71: {  	_ =	shalt  }
0x72: {  	_ =	shalt  }
0x73: {  	_ =	shalt  }
0x74: {  	_ =	shalt  }
0x75: {  	_ =	shalt  }
0x76: {  	_ =	shalt  }
0x77: {  	_ =	shalt  }
0x78: {  	_ =	shalt  }
0x79: {  	_ =	shalt  }
0x7a: {  	_ =	shalt  }
0x7b: {  	_ =	shalt  }
0x7c: {  	_ =	shalt  }
0x7d: {  	_ =	shalt  }
0x7e: {  	_ =	shalt  }
0x7f: {  	_ =	shalt  }
0x80: {  	_ =	shalt  }
0x81: {  	_ =	shalt  }
0x82: {  	_ =	shalt  }
0x83: {  	_ =	shalt  }
0x84: {  	_ =	shalt  }
0x85: {  	_ =	shalt  }
0x86: {  	_ =	shalt  }
0x87: {  	_ =	shalt  }
.Lfunc_end0:
.L_simem_size_0:
called_computation_lowered:
.L_overlay_start_0:
0x88: {  	s2 =	sld [smem:$0x3FD9]  }
0x89: {  	s3 =	sld [smem:$0x3FFE];
	_ =	sdelay $0x1  }
0x8a: {  	s1 =	srdreg.scid  }
0x8b: {  	s0 =	sand.u32 $0x1, s1  }
0x8c: {  	s17 =	sshll.u32 s0, $0xA;
	s2 =	sadd.s32 s3, s2  }
0x8d: {  	s2 =	sadd.s32 s2, s17  }
0x8e: {  	[smem:$0x3FC4] =	sst s2  }
0x8f: {  	_ = 	snop  }
0x90: {  	s2 =	sld [smem:$0x3FC9]  }
0x91: {  	s18 =	sld [smem:$0x3FC8]  }
0x92: {  	s4 =	sld [smem:$0x3FD0];
	(tm) =	ssettm $0x1  }
0x93: {  	s5 =	sld [smem:$0x3FFB];
	_ =	sdelay $0x3  }
0x94: {  	_ =	strace s5  }
0x95: {  	s5 =	sld [smem:$0x3FFC];
	_ =	sdelay $0x3  }
0x96: {  	_ =	strace s5  }
0x97: {  	s5 =	sld [smem:$0x3FFD];
	_ =	sdelay $0x3  }
0x98: {  	_ =	strace s5  }
0x99: {  	_ =	strace $0x8FFFFFFF  }
0x9a: {  	s19 =	sld [smem:$0x3FDB];
	_ =	sdelay $0x1  }
0x9b: {  	s6 =	simm.s32 $_scs_section_size  }
0x9c: {  	s7 =	simm.s32 $_size__tile_overlayer_lowered;
	s8 =	simm.s32 $_tile_overlayer_lowered  }
0x9d: {  	s22 =	simm.s32 $0x1BFF;
	s21 =	sshll.u32 s8, $0x1;
	s5 =	sadd.s32 s6, s19  }
0x9e: {  	s9 =	simm.s32 $0x0;
	s20 =	sshll.u32 s7, $0x1;
	s7 =	sadd.s32 s21, s5  }
0x9f: {  	[timem:s9], [sflag:s22] =	dma.local [hbm:s7], s20  }
0xa0: {  	_ =	swait.ge [sflag:s22], s20  }
0xa1: {  	s6 =	ssub.s32 $0x0, s20;
	[sflag:s22] =	ssyncset.done $0x0  }
0xa2: {  	[sflag:s22] =	ssyncadd.s32 s6;
	_ =	sdelay $0x1  }
0xa3: {  	s23 =	simm.s32 $0x1B8B  }
0xa4: {  	_ =	swait.ge [sflag:s23], $0x1  }
0xa5: {  	[sflag:s23] =	ssyncset.done $0x0  }
0xa6: {  	s25 =	simm.s32 $0x1B8E;
	s24 =	sld [smem:$0x3FFE];
	[sflag:s23] =	ssyncadd.s32 $0xFFFFFFFF  }
0xa7: {  	s26 =	simm.s32 $execute0_lowered;
	[smem:$0x3FD2] =	sst s25  }
0xa8: {  	s7 =	sshll.u32 s26, $0x1;
	_ =	strace $0x80000046;
	[dreg:$0x1] =	wrdreg $0xFFFFFFFF  }
0xa9: {  	s28 =	simm.s32 $_size_execute0_lowered;
	s5 =	sadd.s32 s5, s7;
	[dreg:$0x0] =	wrdreg $0x0  }
0xaa: {  	s7 =	sshll.u32 s28, $0x1;
	[dreg:$0x2] =	wrdreg s5  }
0xab: {  	[dreg:$0x3] =	wrdreg s7  }
0xac: {  	[dreg:$0x4] =	wrdreg $0xC0  }
0xad: {  	_ =	task [dreg:s9], $0x5FFFF  }
0xae: {  	[dreg:$0x1] =	wrdreg $0xFFFFFFFF  }
0xaf: {  	[dreg:$0x0] =	wrdreg $0x60  }
0xb0: {  	[dreg:$0x2] =	wrdreg s24  }
0xb1: {  	[dreg:$0x3] =	wrdreg s2  }
0xb2: {  	[dreg:$0x4] =	wrdreg s18  }
0xb3: {  	[dreg:$0x5] =	wrdreg s4  }
0xb4: {  	[dreg:$0x6] =	wrdreg $0x16E900  }
0xb5: {  	[dreg:$0x7] =	wrdreg $0x9  }
0xb6: {  	_ =	task.clear_ibuf [dreg:s9], $0x8FFFF;
	_ =	strace $0x90000046  }
0xb7: {  	s29 =	simm.s32 $0x9;
	_ =	strace $0x80000048  }
0xb8: {  	_ =	swait.ge [sflag:s29], $0x1  }
0xb9: {  	[sflag:s29] =	ssyncadd.s32 $0xFFFFFFFF  }
0xba: {  	_ =	strace $0x90000048  }
0xbb: {  	_ =	sfence  }
0xbc: {  	s30 =	sld [smem:$0x0];
	_ =	sdelay $0x2  }
0xbd: {  	s31 =	sshll.u32 s1, $0xD;
	s1 =	sshrl.u32 s1, $0x2  }
0xbe: {  	s3 =	sand.u32 $0x4000, s31;
	s1 =	sadd.s32 s1, s30  }
0xbf: {  	s0 =	sor.u32 s3, s0;
	s1 =	sshll.u32 s1, $0x11  }
0xc0: {  	s0 =	sor.u32 s1, s0  }
0xc1: {  	s0 =	sadd.s32 $0x8F2B, s0  }
0xc2: {  	[sflag:s0] =	ssyncadd.remote.s32 $0x1  }
0xc3: {  	_ =	sfence.sel $0xFFFF  }
0xc4: {  	[dreg:$0x0] =	wrdreg $0xFFFFFFFF;
	(pc) =	sbr.abs _section_cstart, $3  }
0xc5: {  	[dreg:$0x1] =	wrdreg $0xFFFFFFFF  }
0xc6: {  	_ =	task.clear_ibuf [dreg:s9], $0x2FFFF;
	_ =	strace $0x9FFFFFFF  }
0xc7: {  	(tm) =	ssettm $0x7FFFFFFF  }
tec
execute0_lowered:
.L_overlay_start_1:
0x0: {  	(tag) =	ssettag $0x1  }
0x1: {  	s0 =	rddreg [dreg:$0x0]  }
0x2: {  	s2 =	rddreg [dreg:$0x1]  }
0x3: {  	s3 =	rddreg [dreg:$0x2]  }
0x4: {  	s8 =	rddreg [dreg:$0x3]  }
0x5: {  	s1 =	rddreg [dreg:$0x4];
	s5 =	simm.s32 $0x0;
	s4 =	srdreg.scid  }
0x6: {  	s9 =	stileid.u32;
	s15 =	simm.s32 $0x2;
	s16 =	simm.s32 $0x80  }
0x7: {  	s17 =	simm.s32 $0x4950;
	s28 =	simm.s32 $0x880;
	s29 =	simm.s32 $0x11550  }
0x8: {  	s30 =	simm.s32 $0x900;
	s31 =	simm.s32 $0x12150;
	s18 =	simm.s32 $0x15D50  }
0x9: {  	s19 =	simm.s32 $0xC00;
	[smem:$0x7FF] =	sst s5;
	s4 =	sand.u32 $0x1, s4  }
0xa: {  	s20 =	sshll.u32 s9, $0x1;
	s21 =	sadd.s32 $0x400, s0;
	s0 =	sadd.s32 $0x187000, s0  }
0xb: {  	p0 =	sne.s32 s9, $0x0;
	s26 =	sshrl.u32 s1, $0x3;
	p1 =	sgt.u32 s9, $0x9  }
0xc: {  	s9 =	simm.s32 $0x13950;
	_ =	strace $0x80000047;
	s6 =	sor.u32 s4, s20  }
0xd: {  	[dreg:$0x6] =	wrdreg s21;
	s4 =	ssub.s32 $0x2, s4;
	s22 =	smul.u32 $0x187, s6  }
0xe: {  	[dreg:$0xb] =	wrdreg s26;
	s20 =	simm.s32 $0x16950;
	s10 =	smul.u32 $0xC30, s6  }
0xf: {  	s21 =	simm.s32 $0xC38;
	s7 =	sshrl.u32 s4, $0x1;
	s23 =	smul.u32 $0x61C, s6  }
0x10: {  	s12 =	smul.u32 $0x24A8, s6;
	s11 =	ssub.s32 s4, s7;
	s4 =	sadd.s32 s2, s22  }
0x11: {  	s5 =	sadd.s32 s3, s22;
	s10 =	sadd.s32 $0xA0, s10;
	s6 =	sadd.s32 s0, s23  }
0x12: {  	s7 =	sadd.s32 s8, s12;
	s12 =	smax.u32 s11, $0x1;
	s11 =	simm.s32 $0x14550  }
0x13: {  	s22 =	simm.s32 $0x1;
	s23 =	simm.s32 $0x0;
	s13 =	sshrl.u32 s10, $0x3  }
0x14: {  	v0 =	vimm.s32 $0x43424140;
	v1 =	vimm.s32 $0x5B5A5958;
	s14 =	smul.u32 $0x3, s10;
	s24 =	sshrl.u32 s10, $0x1;
	s2 =	sadd.s32 s2, s13  }
.Ltmp0:
0x15: {  	v2 =	vimm.s32 $0x13121110;
	v3 =	vimm.s32 $0x2B2A2928;
	v0 =	vunpack.c.0.s8.s32 v0;
	s3 =	sadd.s32 s3, s13;
	[dreg:$0x7] =	wrdreg s2;
	(pc) =	sbr.rel .LBB2_1-.Ltmp0, $4  }
0x16: {  	v1 =	vunpack.c.0.s8.s32 v1;
	v2 =	vunpack.c.0.s8.s32 v2;
	v3 =	vunpack.c.0.s8.s32 v3;
	s10 =	simm.s32 $0xA80;
	s0 =	sadd.s32 s0, s24;
	[dreg:$0x8] =	wrdreg s3  }
0x17: {  	vm0 =	vcmask $0x1F10;
	s13 =	simm.s32 $0x15150;
	[dreg:$0x9] =	wrdreg s0;
	s25 =	sadd.s32 s8, s14  }
0x18: {  	v1 =	vsel vm0, v1, v0;
	v0 =	vlaneseq.u32;
	v2 =	vsel vm0, v3, v2;
	s0 =	simm.s32 $0x980;
	s14 =	simm.s32 $0x12D50;
	s8 =	simm.s32 $0xA00  }
0x19: {  	v0 =	vshrl.u32 v0, $0x2;
	v1 =	vcombine.low v2, v1;
	s3 =	simm.s32 $0xB00;
	s2 =	simm.s32 $0xB80;
	[dreg:$0xa] =	wrdreg s25  }
.LBB2_10:
0x1a: {  	s23 =	sadd.s32 $0x1, s23  }
0x1b: {  	p2 =	sne.s32 s23, s12  }
.Ltmp1:
0x1c: {  	_ = 	snop;
	(pc) =	sbr.rel @!p2 .LBB2_11-.Ltmp1, $1  }
0x1d: {  	_ =	sdelay $0x3  }
.LBB2_1:
.Ltmp2:
0x1e: {  	(pc) =	sbr.rel @!p0 .LBB2_2-.Ltmp2, $1  }
0x1f: {  	_ =	sdelay $0x3  }
.Ltmp3:
0x20: {  	(pc) =	sbr.rel @!p1 .LBB2_4-.Ltmp3, $2  }
0x21: {  	_ =	sdelay $0x1  }
0x22: {  	[bflag:$0x0] =	sbarrier.arrive $0xFFFF;
	_ =	sdelay $0x1  }
0x23: {  	s25 =	simm.s32 $0x0;
	s24 =	rddreg [dreg:$0x7]  }
0x24: {  	[tilespmem:s25], [sflag:$0x2] =	stream.linear.gather [hbm4b:s24+s25], $0xC30, $0x38;
	[tilespmem:$0x16F28] =	vst v63  }
0x25: {  	_ =	swait.ge [sflag:s15], $0xC30  }
0x26: {  	[sflag:s15] =	ssyncset.done $0x0  }
0x27: {  	[sflag:s15] =	ssyncadd.s32 $0xFFFFF3D0  }
0x28: {  	[tilespmem:s17], [sflag:$0x1] =	stream.indirect.gather [spmem:s1], $0x18, s25, s16, $0xb8;
	[tilespmem:$0x16F28] =	vst v63  }
0x29: {  	s26 =	simm.s32 $0x5550  }
0x2a: {  	[tilespmem:s26], [sflag:$0x1] =	stream.indirect.gather [spmem:s1], $0x18, s16, s16, $0xb8;
	[tilespmem:$0x16F28] =	vst v63  }
0x2b: {  	s24 =	simm.s32 $0x100;
	s26 =	simm.s32 $0x6150  }
0x2c: {  	[tilespmem:s26], [sflag:$0x1] =	stream.indirect.gather [spmem:s1], $0x18, s24, s16, $0xb8;
	[tilespmem:$0x16F28] =	vst v63  }
0x2d: {  	s24 =	simm.s32 $0x180;
	s26 =	simm.s32 $0x6D50  }
0x2e: {  	[tilespmem:s26], [sflag:$0x1] =	stream.indirect.gather [spmem:s1], $0x18, s24, s16, $0xb8;
	[tilespmem:$0x16F28] =	vst v63  }
0x2f: {  	s24 =	simm.s32 $0x200;
	s26 =	simm.s32 $0x7950  }
0x30: {  	[tilespmem:s26], [sflag:$0x1] =	stream.indirect.gather [spmem:s1], $0x18, s24, s16, $0xb8;
	[tilespmem:$0x16F28] =	vst v63  }
0x31: {  	s24 =	simm.s32 $0x280;
	s26 =	simm.s32 $0x8550  }
0x32: {  	[tilespmem:s26], [sflag:$0x1] =	stream.indirect.gather [spmem:s1], $0x18, s24, s16, $0xb8;
	[tilespmem:$0x16F28] =	vst v63  }
0x33: {  	s24 =	simm.s32 $0x300;
	s26 =	simm.s32 $0x9150  }
0x34: {  	[tilespmem:s26], [sflag:$0x1] =	stream.indirect.gather [spmem:s1], $0x18, s24, s16, $0xb8;
	[tilespmem:$0x16F28] =	vst v63  }
0x35: {  	s24 =	simm.s32 $0x380;
	s26 =	simm.s32 $0x9D50  }
0x36: {  	[tilespmem:s26], [sflag:$0x1] =	stream.indirect.gather [spmem:s1], $0x18, s24, s16, $0xb8;
	[tilespmem:$0x16F28] =	vst v63  }
0x37: {  	s24 =	simm.s32 $0x400;
	s26 =	simm.s32 $0xA950  }
0x38: {  	[tilespmem:s26], [sflag:$0x1] =	stream.indirect.gather [spmem:s1], $0x18, s24, s16, $0xb8;
	[tilespmem:$0x16F28] =	vst v63  }
0x39: {  	s24 =	simm.s32 $0x480;
	s26 =	simm.s32 $0xB550  }
0x3a: {  	[tilespmem:s26], [sflag:$0x1] =	stream.indirect.gather [spmem:s1], $0x18, s24, s16, $0xb8;
	[tilespmem:$0x16F28] =	vst v63  }
0x3b: {  	s24 =	simm.s32 $0x500;
	s26 =	simm.s32 $0xC150  }
0x3c: {  	[tilespmem:s26], [sflag:$0x1] =	stream.indirect.gather [spmem:s1], $0x18, s24, s16, $0xb8;
	[tilespmem:$0x16F28] =	vst v63  }
0x3d: {  	s24 =	simm.s32 $0x580;
	s26 =	simm.s32 $0xCD50  }
0x3e: {  	[tilespmem:s26], [sflag:$0x1] =	stream.indirect.gather [spmem:s1], $0x18, s24, s16, $0xb8;
	[tilespmem:$0x16F28] =	vst v63  }
0x3f: {  	s24 =	simm.s32 $0x600;
	s26 =	simm.s32 $0xD950  }
0x40: {  	[tilespmem:s26], [sflag:$0x1] =	stream.indirect.gather [spmem:s1], $0x18, s24, s16, $0xb8;
	[tilespmem:$0x16F28] =	vst v63  }
0x41: {  	s24 =	simm.s32 $0x680;
	s26 =	simm.s32 $0xE550  }
0x42: {  	[tilespmem:s26], [sflag:$0x1] =	stream.indirect.gather [spmem:s1], $0x18, s24, s16, $0xb8;
	[tilespmem:$0x16F28] =	vst v63  }
0x43: {  	s24 =	simm.s32 $0x700;
	s26 =	simm.s32 $0xF150  }
0x44: {  	[tilespmem:s26], [sflag:$0x1] =	stream.indirect.gather [spmem:s1], $0x18, s24, s16, $0xb8;
	[tilespmem:$0x16F28] =	vst v63  }
0x45: {  	s24 =	simm.s32 $0x780;
	s26 =	simm.s32 $0xFD50  }
0x46: {  	[tilespmem:s26], [sflag:$0x1] =	stream.indirect.gather [spmem:s1], $0x18, s24, s16, $0xb8;
	[tilespmem:$0x16F28] =	vst v63  }
0x47: {  	s24 =	simm.s32 $0x800;
	s26 =	simm.s32 $0x10950  }
0x48: {  	[tilespmem:s26], [sflag:$0x1] =	stream.indirect.gather [spmem:s1], $0x18, s24, s16, $0xb8;
	[tilespmem:$0x16F28] =	vst v63  }
0x49: {  	_ = 	snop  }
0x4a: {  	[tilespmem:s29], [sflag:$0x1] =	stream.indirect.gather [spmem:s1], $0x18, s28, s16, $0xb8;
	[tilespmem:$0x16F28] =	vst v63  }
0x4b: {  	_ = 	snop  }
0x4c: {  	[tilespmem:s31], [sflag:$0x1] =	stream.indirect.gather [spmem:s1], $0x18, s30, s16, $0xb8;
	[tilespmem:$0x16F28] =	vst v63  }
0x4d: {  	_ = 	snop  }
0x4e: {  	[tilespmem:s14], [sflag:$0x1] =	stream.indirect.gather [spmem:s1], $0x18, s0, s16, $0xb8;
	[tilespmem:$0x16F28] =	vst v63  }
0x4f: {  	_ = 	snop  }
0x50: {  	[tilespmem:s9], [sflag:$0x1] =	stream.indirect.gather [spmem:s1], $0x18, s8, s16, $0xb8;
	[tilespmem:$0x16F28] =	vst v63  }
0x51: {  	_ = 	snop  }
0x52: {  	[tilespmem:s11], [sflag:$0x1] =	stream.indirect.gather [spmem:s1], $0x18, s10, s16, $0xb8;
	[tilespmem:$0x16F28] =	vst v63  }
0x53: {  	_ = 	snop  }
0x54: {  	[tilespmem:s13], [sflag:$0x1] =	stream.indirect.gather [spmem:s1], $0x18, s3, s16, $0xb8;
	[tilespmem:$0x16F28] =	vst v63  }
0x55: {  	_ = 	snop  }
0x56: {  	[tilespmem:s18], [sflag:$0x1] =	stream.indirect.gather [spmem:s1], $0x18, s2, s16, $0xb8;
	[tilespmem:$0x16F28] =	vst v63  }
0x57: {  	s26 =	simm.s32 $0x30  }
0x58: {  	[tilespmem:s20], [sflag:$0x1] =	stream.indirect.gather [spmem:s1], $0x18, s19, s26, $0xb8;
	[tilespmem:$0x16F28] =	vst v63  }
0x59: {  	s26 =	rddreg [dreg:$0x8]  }
0x5a: {  	[tilespmem:s21], [sflag:$0x2] =	stream.linear.gather [hbm4b:s26+s25], $0xC30, $0x38;
	[tilespmem:$0x16F28] =	vst v63  }
0x5b: {  	_ =	swait.ge [sflag:s15], $0xC30  }
0x5c: {  	[sflag:s15] =	ssyncset.done $0x0  }
0x5d: {  	s24 =	simm.s32 $0x1870;
	s26 =	rddreg [dreg:$0x9];
	[sflag:s15] =	ssyncadd.s32 $0xFFFFF3D0  }
0x5e: {  	[tilespmem:s24], [sflag:$0x2] =	stream.linear.gather [hbm4b:s26+s25], $0x30C0, $0x38;
	[tilespmem:$0x16F28] =	vst v63  }
0x5f: {  	_ =	swait.ge [sflag:s15], $0x30C0  }
0x60: {  	[sflag:s15] =	ssyncset.done $0x0  }
0x61: {  	[sflag:s15] =	ssyncadd.s32 $0xFFFFCF40  }
0x62: {  	_ =	swait.ge [sflag:s22], $0xC00  }
0x63: {  	[sflag:s22] =	ssyncset.done $0x0  }
0x64: {  	[sflag:s22] =	ssyncadd.s32 $0xFFFFF400  }
0x65: {  	_ =	swait.ge [sflag:s22], $0xC00  }
0x66: {  	[sflag:s22] =	ssyncset.done $0x0  }
0x67: {  	[sflag:s22] =	ssyncadd.s32 $0xFFFFF400  }
0x68: {  	_ =	swait.ge [sflag:s22], $0xC00  }
0x69: {  	[sflag:s22] =	ssyncset.done $0x0  }
0x6a: {  	[sflag:s22] =	ssyncadd.s32 $0xFFFFF400  }
0x6b: {  	_ =	swait.ge [sflag:s22], $0xC00  }
0x6c: {  	[sflag:s22] =	ssyncset.done $0x0  }
0x6d: {  	[sflag:s22] =	ssyncadd.s32 $0xFFFFF400  }
0x6e: {  	_ =	swait.ge [sflag:s22], $0xC00  }
0x6f: {  	[sflag:s22] =	ssyncset.done $0x0  }
0x70: {  	[sflag:s22] =	ssyncadd.s32 $0xFFFFF400  }
0x71: {  	_ =	swait.ge [sflag:s22], $0xC00  }
0x72: {  	[sflag:s22] =	ssyncset.done $0x0  }
0x73: {  	[sflag:s22] =	ssyncadd.s32 $0xFFFFF400  }
0x74: {  	_ =	swait.ge [sflag:s22], $0xC00  }
0x75: {  	[sflag:s22] =	ssyncset.done $0x0  }
0x76: {  	[sflag:s22] =	ssyncadd.s32 $0xFFFFF400  }
0x77: {  	_ =	swait.ge [sflag:s22], $0xC00  }
0x78: {  	[sflag:s22] =	ssyncset.done $0x0  }
0x79: {  	[sflag:s22] =	ssyncadd.s32 $0xFFFFF400  }
0x7a: {  	_ =	swait.ge [sflag:s22], $0xC00  }
0x7b: {  	[sflag:s22] =	ssyncset.done $0x0  }
0x7c: {  	[sflag:s22] =	ssyncadd.s32 $0xFFFFF400  }
0x7d: {  	_ =	swait.ge [sflag:s22], $0xC00  }
0x7e: {  	[sflag:s22] =	ssyncset.done $0x0  }
0x7f: {  	[sflag:s22] =	ssyncadd.s32 $0xFFFFF400  }
0x80: {  	_ =	swait.ge [sflag:s22], $0xC00  }
0x81: {  	[sflag:s22] =	ssyncset.done $0x0  }
0x82: {  	[sflag:s22] =	ssyncadd.s32 $0xFFFFF400  }
0x83: {  	_ =	swait.ge [sflag:s22], $0xC00  }
0x84: {  	[sflag:s22] =	ssyncset.done $0x0  }
0x85: {  	[sflag:s22] =	ssyncadd.s32 $0xFFFFF400  }
0x86: {  	_ =	swait.ge [sflag:s22], $0xC00  }
0x87: {  	[sflag:s22] =	ssyncset.done $0x0  }
0x88: {  	[sflag:s22] =	ssyncadd.s32 $0xFFFFF400  }
0x89: {  	_ =	swait.ge [sflag:s22], $0xC00  }
0x8a: {  	[sflag:s22] =	ssyncset.done $0x0  }
0x8b: {  	[sflag:s22] =	ssyncadd.s32 $0xFFFFF400  }
0x8c: {  	_ =	swait.ge [sflag:s22], $0xC00  }
0x8d: {  	[sflag:s22] =	ssyncset.done $0x0  }
0x8e: {  	[sflag:s22] =	ssyncadd.s32 $0xFFFFF400  }
0x8f: {  	_ =	swait.ge [sflag:s22], $0xC00  }
0x90: {  	[sflag:s22] =	ssyncset.done $0x0  }
0x91: {  	[sflag:s22] =	ssyncadd.s32 $0xFFFFF400  }
0x92: {  	_ =	swait.ge [sflag:s22], $0xC00  }
0x93: {  	[sflag:s22] =	ssyncset.done $0x0  }
0x94: {  	[sflag:s22] =	ssyncadd.s32 $0xFFFFF400  }
0x95: {  	_ =	swait.ge [sflag:s22], $0xC00  }
0x96: {  	[sflag:s22] =	ssyncset.done $0x0  }
0x97: {  	[sflag:s22] =	ssyncadd.s32 $0xFFFFF400  }
0x98: {  	_ =	swait.ge [sflag:s22], $0xC00  }
0x99: {  	[sflag:s22] =	ssyncset.done $0x0  }
0x9a: {  	[sflag:s22] =	ssyncadd.s32 $0xFFFFF400  }
0x9b: {  	_ =	swait.ge [sflag:s22], $0xC00  }
0x9c: {  	[sflag:s22] =	ssyncset.done $0x0  }
0x9d: {  	[sflag:s22] =	ssyncadd.s32 $0xFFFFF400  }
0x9e: {  	_ =	swait.ge [sflag:s22], $0xC00  }
0x9f: {  	[sflag:s22] =	ssyncset.done $0x0  }
0xa0: {  	[sflag:s22] =	ssyncadd.s32 $0xFFFFF400  }
0xa1: {  	_ =	swait.ge [sflag:s22], $0xC00  }
0xa2: {  	[sflag:s22] =	ssyncset.done $0x0  }
0xa3: {  	[sflag:s22] =	ssyncadd.s32 $0xFFFFF400  }
0xa4: {  	_ =	swait.ge [sflag:s22], $0xC00  }
0xa5: {  	[sflag:s22] =	ssyncset.done $0x0  }
0xa6: {  	[sflag:s22] =	ssyncadd.s32 $0xFFFFF400  }
0xa7: {  	_ =	swait.ge [sflag:s22], $0xC00  }
0xa8: {  	v2 =	vor.u32 s25, v0;
	[sflag:s22] =	ssyncset.done $0x0  }
0xa9: {  	[sflag:s22] =	ssyncadd.s32 $0xFFFFF400  }
0xaa: {  	_ =	swait.ge [sflag:s22], $0x480  }
0xab: {  	[sflag:s22] =	ssyncset.done $0x0  }
0xac: {  	[sflag:s22] =	ssyncadd.s32 $0xFFFFFB80  }
0xad: {  	v2 =	vld.idx.msk [tilespmem:v2+s21+$0x0], $0xffff;
	_ =	sdelay $0x2  }
0xae: {  	v3 =	vmov s25  }
0xaf: {  	v3 =	vmul.u32 $0x18, v3  }
0xb0: {  	vm0 =	veq.s32 v2, $0x1  }
0xb1: {  	v3 =	vadd.s32 v1, v3;
	s25 =	simm.s32 $0x4;
	v2 =	vld [tilespmem:s24+$0x0]  }
0xb2: {  	s26 =	simm.s32 $0x8;
	v4 =	vor.u32 s25, v0  }
.LBB2_8:
0xb3: {  	p2 =	sne.s32 s26, $0xC2C;
	_ =	sdelay $0x2  }
0xb4: {  	[tilespmem:v3+s17+$0x0] =	vst.idx.msk vm0, v2  }
0xb5: {  	v2 =	vld.idx.msk [tilespmem:v4+s21+$0x0], $0xffff;
	_ =	sdelay $0x3  }
.Ltmp4:
0xb6: {  	v3 =	vmov s25;
	s25 =	smov.u32 s26;
	(pc) =	sbr.rel @p2 .LBB2_8-.Ltmp4, $4  }
0xb7: {  	v3 =	vmul.u32 $0x18, v3  }
0xb8: {  	s24 =	sadd.s32 $0x10, s24;
	vm0 =	veq.s32 v2, $0x1  }
0xb9: {  	v3 =	vadd.s32 v1, v3;
	v2 =	vld [tilespmem:s24+$0x0]  }
0xba: {  	s26 =	sadd.s32 $0x4, s26;
	v4 =	vor.u32 s25, v0  }
0xbb: {  	_ =	sdelay $0x4  }
0xbc: {  	[tilespmem:v3+s17+$0x0] =	vst.idx.msk vm0, v2  }
0xbd: {  	v2 =	vld.idx.msk [tilespmem:v4+s21+$0x0], $0xffff;
	_ =	sdelay $0x2  }
0xbe: {  	v3 =	vmov s25  }
0xbf: {  	v3 =	vmul.u32 $0x18, v3  }
0xc0: {  	s24 =	sadd.s32 $0x10, s24;
	vm15 =	veq.s32 v2, $0x1  }
0xc1: {  	v3 =	vadd.s32 v1, v3;
	v2 =	vld [tilespmem:s24+$0x0];
	_ =	sdelay $0x4  }
.Ltmp5:
0xc2: {  	s26 =	rddreg [dreg:$0xa];
	s25 =	simm.s32 $0x0;
	[tilespmem:v3+s17+$0x0] =	vst.idx.msk vm15, v2;
	(pc) =	sbr.rel .LBB2_10-.Ltmp5, $4  }
0xc3: {  	[hbm4b:s26+s25] =	stream.linear.scatter [tilespmem:s17], [sflag:$0x2], $0x12480, $0x38;
	[tilespmem:$0x16F28] =	vst v63  }
0xc4: {  	_ =	swait.ge [sflag:s15], $0x12480  }
0xc5: {  	[sflag:s15] =	ssyncset.done $0x0  }
0xc6: {  	[sflag:s15] =	ssyncadd.s32 $0xFFFEDB80  }
.LBB2_2:
0xc7: {  	s24 =	rddreg [dreg:$0x6]  }
0xc8: {  	s25 =	rddreg [dreg:$0xb];
	s26 =	simm.s32 $0x1C02  }
0xc9: {  	[spmem:s25], [sflag:s26] =	dma.local [hbm:s24], $0x12C  }
0xca: {  	_ =	swait.ge [sflag:s15], $0x12C  }
0xcb: {  	[sflag:s15] =	ssyncset.done $0x0  }
0xcc: {  	[sflag:s15] =	ssyncadd.s32 $0xFFFFFED4  }
0xcd: {  	[bflag:$0x0] =	sbarrier.arrive $0xFFFF  }
.LBB2_4:
0xce: {  	s25 =	simm.s32 $0x0  }
0xcf: {  	[tilespmem:s25], [sflag:$0x2] =	stream.linear.gather [hbm4b:s4+s25], $0xC38, $0x38;
	[tilespmem:$0x16F28] =	vst v63  }
0xd0: {  	_ =	swait.ge [sflag:s15], $0xC38  }
0xd1: {  	[sflag:s15] =	ssyncset.done $0x0  }
0xd2: {  	[sflag:s15] =	ssyncadd.s32 $0xFFFFF3C8  }
0xd3: {  	[tilespmem:s17], [sflag:$0x1] =	stream.indirect.gather [spmem:s1], $0x18, s25, s16, $0xb8;
	[tilespmem:$0x16F28] =	vst v63  }
0xd4: {  	s24 =	simm.s32 $0x5550  }
0xd5: {  	[tilespmem:s24], [sflag:$0x1] =	stream.indirect.gather [spmem:s1], $0x18, s16, s16, $0xb8;
	[tilespmem:$0x16F28] =	vst v63  }
0xd6: {  	s26 =	simm.s32 $0x6150;
	s24 =	simm.s32 $0x100  }
0xd7: {  	[tilespmem:s26], [sflag:$0x1] =	stream.indirect.gather [spmem:s1], $0x18, s24, s16, $0xb8;
	[tilespmem:$0x16F28] =	vst v63  }
0xd8: {  	s24 =	simm.s32 $0x180;
	s26 =	simm.s32 $0x6D50  }
0xd9: {  	[tilespmem:s26], [sflag:$0x1] =	stream.indirect.gather [spmem:s1], $0x18, s24, s16, $0xb8;
	[tilespmem:$0x16F28] =	vst v63  }
0xda: {  	s24 =	simm.s32 $0x200;
	s26 =	simm.s32 $0x7950  }
0xdb: {  	[tilespmem:s26], [sflag:$0x1] =	stream.indirect.gather [spmem:s1], $0x18, s24, s16, $0xb8;
	[tilespmem:$0x16F28] =	vst v63  }
0xdc: {  	s24 =	simm.s32 $0x280;
	s26 =	simm.s32 $0x8550  }
0xdd: {  	[tilespmem:s26], [sflag:$0x1] =	stream.indirect.gather [spmem:s1], $0x18, s24, s16, $0xb8;
	[tilespmem:$0x16F28] =	vst v63  }
0xde: {  	s24 =	simm.s32 $0x300;
	s26 =	simm.s32 $0x9150  }
0xdf: {  	[tilespmem:s26], [sflag:$0x1] =	stream.indirect.gather [spmem:s1], $0x18, s24, s16, $0xb8;
	[tilespmem:$0x16F28] =	vst v63  }
0xe0: {  	s24 =	simm.s32 $0x380;
	s26 =	simm.s32 $0x9D50  }
0xe1: {  	[tilespmem:s26], [sflag:$0x1] =	stream.indirect.gather [spmem:s1], $0x18, s24, s16, $0xb8;
	[tilespmem:$0x16F28] =	vst v63  }
0xe2: {  	s24 =	simm.s32 $0x400;
	s26 =	simm.s32 $0xA950  }
0xe3: {  	[tilespmem:s26], [sflag:$0x1] =	stream.indirect.gather [spmem:s1], $0x18, s24, s16, $0xb8;
	[tilespmem:$0x16F28] =	vst v63  }
0xe4: {  	s24 =	simm.s32 $0x480;
	s26 =	simm.s32 $0xB550  }
0xe5: {  	[tilespmem:s26], [sflag:$0x1] =	stream.indirect.gather [spmem:s1], $0x18, s24, s16, $0xb8;
	[tilespmem:$0x16F28] =	vst v63  }
0xe6: {  	s24 =	simm.s32 $0x500;
	s26 =	simm.s32 $0xC150  }
0xe7: {  	[tilespmem:s26], [sflag:$0x1] =	stream.indirect.gather [spmem:s1], $0x18, s24, s16, $0xb8;
	[tilespmem:$0x16F28] =	vst v63  }
0xe8: {  	s24 =	simm.s32 $0x580;
	s26 =	simm.s32 $0xCD50  }
0xe9: {  	[tilespmem:s26], [sflag:$0x1] =	stream.indirect.gather [spmem:s1], $0x18, s24, s16, $0xb8;
	[tilespmem:$0x16F28] =	vst v63  }
0xea: {  	s24 =	simm.s32 $0x600;
	s26 =	simm.s32 $0xD950  }
0xeb: {  	[tilespmem:s26], [sflag:$0x1] =	stream.indirect.gather [spmem:s1], $0x18, s24, s16, $0xb8;
	[tilespmem:$0x16F28] =	vst v63  }
0xec: {  	s24 =	simm.s32 $0x680;
	s26 =	simm.s32 $0xE550  }
0xed: {  	[tilespmem:s26], [sflag:$0x1] =	stream.indirect.gather [spmem:s1], $0x18, s24, s16, $0xb8;
	[tilespmem:$0x16F28] =	vst v63  }
0xee: {  	s24 =	simm.s32 $0x700;
	s26 =	simm.s32 $0xF150  }
0xef: {  	[tilespmem:s26], [sflag:$0x1] =	stream.indirect.gather [spmem:s1], $0x18, s24, s16, $0xb8;
	[tilespmem:$0x16F28] =	vst v63  }
0xf0: {  	s24 =	simm.s32 $0x780;
	s26 =	simm.s32 $0xFD50  }
0xf1: {  	[tilespmem:s26], [sflag:$0x1] =	stream.indirect.gather [spmem:s1], $0x18, s24, s16, $0xb8;
	[tilespmem:$0x16F28] =	vst v63  }
0xf2: {  	s24 =	simm.s32 $0x800;
	s26 =	simm.s32 $0x10950  }
0xf3: {  	[tilespmem:s26], [sflag:$0x1] =	stream.indirect.gather [spmem:s1], $0x18, s24, s16, $0xb8;
	[tilespmem:$0x16F28] =	vst v63  }
0xf4: {  	_ = 	snop  }
0xf5: {  	[tilespmem:s29], [sflag:$0x1] =	stream.indirect.gather [spmem:s1], $0x18, s28, s16, $0xb8;
	[tilespmem:$0x16F28] =	vst v63  }
0xf6: {  	_ = 	snop  }
0xf7: {  	[tilespmem:s31], [sflag:$0x1] =	stream.indirect.gather [spmem:s1], $0x18, s30, s16, $0xb8;
	[tilespmem:$0x16F28] =	vst v63  }
0xf8: {  	_ = 	snop  }
0xf9: {  	[tilespmem:s14], [sflag:$0x1] =	stream.indirect.gather [spmem:s1], $0x18, s0, s16, $0xb8;
	[tilespmem:$0x16F28] =	vst v63  }
0xfa: {  	_ = 	snop  }
0xfb: {  	[tilespmem:s9], [sflag:$0x1] =	stream.indirect.gather [spmem:s1], $0x18, s8, s16, $0xb8;
	[tilespmem:$0x16F28] =	vst v63  }
0xfc: {  	_ = 	snop  }
0xfd: {  	[tilespmem:s11], [sflag:$0x1] =	stream.indirect.gather [spmem:s1], $0x18, s10, s16, $0xb8;
	[tilespmem:$0x16F28] =	vst v63  }
0xfe: {  	_ = 	snop  }
0xff: {  	[tilespmem:s13], [sflag:$0x1] =	stream.indirect.gather [spmem:s1], $0x18, s3, s16, $0xb8;
	[tilespmem:$0x16F28] =	vst v63  }
0x100: {  	_ = 	snop  }
0x101: {  	[tilespmem:s18], [sflag:$0x1] =	stream.indirect.gather [spmem:s1], $0x18, s2, s16, $0xb8;
	[tilespmem:$0x16F28] =	vst v63  }
0x102: {  	s26 =	simm.s32 $0x38  }
0x103: {  	[tilespmem:s20], [sflag:$0x1] =	stream.indirect.gather [spmem:s1], $0x18, s19, s26, $0xb8;
	[tilespmem:$0x16F28] =	vst v63  }
0x104: {  	_ = 	snop  }
0x105: {  	[tilespmem:s21], [sflag:$0x2] =	stream.linear.gather [hbm4b:s5+s25], $0xC38, $0x38;
	[tilespmem:$0x16F28] =	vst v63  }
0x106: {  	_ =	swait.ge [sflag:s15], $0xC38  }
0x107: {  	[sflag:s15] =	ssyncset.done $0x0  }
0x108: {  	s24 =	simm.s32 $0x1870;
	[sflag:s15] =	ssyncadd.s32 $0xFFFFF3C8  }
0x109: {  	[tilespmem:s24], [sflag:$0x2] =	stream.linear.gather [hbm4b:s6+s25], $0x30E0, $0x38;
	[tilespmem:$0x16F28] =	vst v63  }
0x10a: {  	_ =	swait.ge [sflag:s15], $0x30E0  }
0x10b: {  	[sflag:s15] =	ssyncset.done $0x0  }
0x10c: {  	[sflag:s15] =	ssyncadd.s32 $0xFFFFCF20  }
0x10d: {  	_ =	swait.ge [sflag:s22], $0xC00  }
0x10e: {  	[sflag:s22] =	ssyncset.done $0x0  }
0x10f: {  	[sflag:s22] =	ssyncadd.s32 $0xFFFFF400  }
0x110: {  	_ =	swait.ge [sflag:s22], $0xC00  }
0x111: {  	[sflag:s22] =	ssyncset.done $0x0  }
0x112: {  	[sflag:s22] =	ssyncadd.s32 $0xFFFFF400  }
0x113: {  	_ =	swait.ge [sflag:s22], $0xC00  }
0x114: {  	[sflag:s22] =	ssyncset.done $0x0  }
0x115: {  	[sflag:s22] =	ssyncadd.s32 $0xFFFFF400  }
0x116: {  	_ =	swait.ge [sflag:s22], $0xC00  }
0x117: {  	[sflag:s22] =	ssyncset.done $0x0  }
0x118: {  	[sflag:s22] =	ssyncadd.s32 $0xFFFFF400  }
0x119: {  	_ =	swait.ge [sflag:s22], $0xC00  }
0x11a: {  	[sflag:s22] =	ssyncset.done $0x0  }
0x11b: {  	[sflag:s22] =	ssyncadd.s32 $0xFFFFF400  }
0x11c: {  	_ =	swait.ge [sflag:s22], $0xC00  }
0x11d: {  	[sflag:s22] =	ssyncset.done $0x0  }
0x11e: {  	[sflag:s22] =	ssyncadd.s32 $0xFFFFF400  }
0x11f: {  	_ =	swait.ge [sflag:s22], $0xC00  }
0x120: {  	[sflag:s22] =	ssyncset.done $0x0  }
0x121: {  	[sflag:s22] =	ssyncadd.s32 $0xFFFFF400  }
0x122: {  	_ =	swait.ge [sflag:s22], $0xC00  }
0x123: {  	[sflag:s22] =	ssyncset.done $0x0  }
0x124: {  	[sflag:s22] =	ssyncadd.s32 $0xFFFFF400  }
0x125: {  	_ =	swait.ge [sflag:s22], $0xC00  }
0x126: {  	[sflag:s22] =	ssyncset.done $0x0  }
0x127: {  	[sflag:s22] =	ssyncadd.s32 $0xFFFFF400  }
0x128: {  	_ =	swait.ge [sflag:s22], $0xC00  }
0x129: {  	[sflag:s22] =	ssyncset.done $0x0  }
0x12a: {  	[sflag:s22] =	ssyncadd.s32 $0xFFFFF400  }
0x12b: {  	_ =	swait.ge [sflag:s22], $0xC00  }
0x12c: {  	[sflag:s22] =	ssyncset.done $0x0  }
0x12d: {  	[sflag:s22] =	ssyncadd.s32 $0xFFFFF400  }
0x12e: {  	_ =	swait.ge [sflag:s22], $0xC00  }
0x12f: {  	[sflag:s22] =	ssyncset.done $0x0  }
0x130: {  	[sflag:s22] =	ssyncadd.s32 $0xFFFFF400  }
0x131: {  	_ =	swait.ge [sflag:s22], $0xC00  }
0x132: {  	[sflag:s22] =	ssyncset.done $0x0  }
0x133: {  	[sflag:s22] =	ssyncadd.s32 $0xFFFFF400  }
0x134: {  	_ =	swait.ge [sflag:s22], $0xC00  }
0x135: {  	[sflag:s22] =	ssyncset.done $0x0  }
0x136: {  	[sflag:s22] =	ssyncadd.s32 $0xFFFFF400  }
0x137: {  	_ =	swait.ge [sflag:s22], $0xC00  }
0x138: {  	[sflag:s22] =	ssyncset.done $0x0  }
0x139: {  	[sflag:s22] =	ssyncadd.s32 $0xFFFFF400  }
0x13a: {  	_ =	swait.ge [sflag:s22], $0xC00  }
0x13b: {  	[sflag:s22] =	ssyncset.done $0x0  }
0x13c: {  	[sflag:s22] =	ssyncadd.s32 $0xFFFFF400  }
0x13d: {  	_ =	swait.ge [sflag:s22], $0xC00  }
0x13e: {  	[sflag:s22] =	ssyncset.done $0x0  }
0x13f: {  	[sflag:s22] =	ssyncadd.s32 $0xFFFFF400  }
0x140: {  	_ =	swait.ge [sflag:s22], $0xC00  }
0x141: {  	[sflag:s22] =	ssyncset.done $0x0  }
0x142: {  	[sflag:s22] =	ssyncadd.s32 $0xFFFFF400  }
0x143: {  	_ =	swait.ge [sflag:s22], $0xC00  }
0x144: {  	[sflag:s22] =	ssyncset.done $0x0  }
0x145: {  	[sflag:s22] =	ssyncadd.s32 $0xFFFFF400  }
0x146: {  	_ =	swait.ge [sflag:s22], $0xC00  }
0x147: {  	[sflag:s22] =	ssyncset.done $0x0  }
0x148: {  	[sflag:s22] =	ssyncadd.s32 $0xFFFFF400  }
0x149: {  	_ =	swait.ge [sflag:s22], $0xC00  }
0x14a: {  	[sflag:s22] =	ssyncset.done $0x0  }
0x14b: {  	[sflag:s22] =	ssyncadd.s32 $0xFFFFF400  }
0x14c: {  	_ =	swait.ge [sflag:s22], $0xC00  }
0x14d: {  	[sflag:s22] =	ssyncset.done $0x0  }
0x14e: {  	[sflag:s22] =	ssyncadd.s32 $0xFFFFF400  }
0x14f: {  	_ =	swait.ge [sflag:s22], $0xC00  }
0x150: {  	[sflag:s22] =	ssyncset.done $0x0  }
0x151: {  	[sflag:s22] =	ssyncadd.s32 $0xFFFFF400  }
0x152: {  	_ =	swait.ge [sflag:s22], $0xC00  }
0x153: {  	v2 =	vor.u32 s25, v0;
	[sflag:s22] =	ssyncset.done $0x0  }
0x154: {  	[sflag:s22] =	ssyncadd.s32 $0xFFFFF400  }
0x155: {  	_ =	swait.ge [sflag:s22], $0x540  }
0x156: {  	[sflag:s22] =	ssyncset.done $0x0  }
0x157: {  	[sflag:s22] =	ssyncadd.s32 $0xFFFFFAC0  }
0x158: {  	v2 =	vld.idx.msk [tilespmem:v2+s21+$0x0], $0xffff;
	_ =	sdelay $0x2  }
0x159: {  	v3 =	vmov s25  }
0x15a: {  	v3 =	vmul.u32 $0x18, v3  }
0x15b: {  	vm0 =	veq.s32 v2, $0x1  }
0x15c: {  	v3 =	vadd.s32 v1, v3;
	s25 =	simm.s32 $0x4;
	v2 =	vld [tilespmem:s24+$0x0]  }
0x15d: {  	s26 =	simm.s32 $0x8;
	v4 =	vor.u32 s25, v0  }
.LBB2_5:
0x15e: {  	p2 =	sne.s32 s26, $0xC34;
	_ =	sdelay $0x2  }
0x15f: {  	[tilespmem:v3+s17+$0x0] =	vst.idx.msk vm0, v2  }
0x160: {  	v2 =	vld.idx.msk [tilespmem:v4+s21+$0x0], $0xffff;
	_ =	sdelay $0x3  }
.Ltmp6:
0x161: {  	v3 =	vmov s25;
	s25 =	smov.u32 s26;
	(pc) =	sbr.rel @p2 .LBB2_5-.Ltmp6, $4  }
0x162: {  	v3 =	vmul.u32 $0x18, v3  }
0x163: {  	s24 =	sadd.s32 $0x10, s24;
	vm0 =	veq.s32 v2, $0x1  }
0x164: {  	v3 =	vadd.s32 v1, v3;
	v2 =	vld [tilespmem:s24+$0x0]  }
0x165: {  	s26 =	sadd.s32 $0x4, s26;
	v4 =	vor.u32 s25, v0  }
0x166: {  	_ =	sdelay $0x4  }
0x167: {  	[tilespmem:v3+s17+$0x0] =	vst.idx.msk vm0, v2  }
0x168: {  	v2 =	vld.idx.msk [tilespmem:v4+s21+$0x0], $0xffff;
	_ =	sdelay $0x2  }
0x169: {  	v3 =	vmov s25  }
0x16a: {  	v3 =	vmul.u32 $0x18, v3  }
0x16b: {  	s24 =	sadd.s32 $0x10, s24;
	vm15 =	veq.s32 v2, $0x1  }
0x16c: {  	v3 =	vadd.s32 v1, v3;
	v2 =	vld [tilespmem:s24+$0x0];
	_ =	sdelay $0x4  }
.Ltmp7:
0x16d: {  	s26 =	simm.s32 $0x0;
	[tilespmem:v3+s17+$0x0] =	vst.idx.msk vm15, v2;
	(pc) =	sbr.rel .LBB2_10-.Ltmp7, $4  }
0x16e: {  	[hbm4b:s7+s26] =	stream.linear.scatter [tilespmem:s17], [sflag:$0x2], $0x12540, $0x38;
	[tilespmem:$0x16F28] =	vst v63  }
0x16f: {  	_ =	swait.ge [sflag:s15], $0x12540  }
0x170: {  	[sflag:s15] =	ssyncset.done $0x0  }
0x171: {  	[sflag:s15] =	ssyncadd.s32 $0xFFFEDAC0  }
.LBB2_11:
0x172: {  	_ =	sfence.sel $0x180000  }
0x173: {  	[bflag:$0x0] =	sbarrier.arrive $0xFFFF  }
0x174: {  	_ =	strace $0x90000047  }
0x175: {  	[bflag:$0x2] =	sbarrier.arrive $0xFFFF  }
0x176: {  	s0 =	rddreg [dreg:$0x5]  }
0x177: {  	s0 =	sadd.s32 @!p0 $0x100000, s0  }
0x178: {  	[sflag:s0] =	ssyncadd.tile.s32 @!p0 $0x1;
	_ =	shalt  }
.Lfunc_end2:
_tile_overlayer_lowered:
.L_overlay_start_2:
0x179: {  	(tag) =	ssettag $0x2  }
0x17a: {  	s0 =	rddreg [dreg:$0x0];
	s2 =	stileid.u32  }
0x17b: {  	s1 =	rddreg [dreg:$0x1];
	p0 =	sne.s32 s2, $0x0  }
0x17c: {  	s3 =	rddreg [dreg:$0x2];
	[bflag:$0x3] =	sbarrier.arrive $0xFFFF;
	s2 =	simm.s32 @!p0 $0x1C02  }
0x17d: {  	[timem:s3], [sflag:s2] =	dma.local @!p0 [hbm:s0], s1  }
0x17e: {  	s0 =	simm.s32 @!p0 $0x2  }
0x17f: {  	_ =	swait.ge @!p0 [sflag:s0], s1  }
0x180: {  	s1 =	ssub.s32 @!p0 $0x0, s1;
	[sflag:s0] =	ssyncset.done @!p0 $0x0  }
0x181: {  	[sflag:s0] =	ssyncadd.s32 @!p0 s1  }
0x182: {  	[bflag:$0x3] =	sbarrier.arrive $0xFFFF  }
0x183: {  	_ =	shalt  }

</sc_bundles>
